<compile_context>
chip_gen: v7x
topology: tpu7x:2x2x1
jax: 0.10.2.dev20260603
libtpu: 0.0.44.dev20260713+nightly
codegen_flags: <defaults>
</compile_context>

<pallas_src>
import functools

import jax
import jax.numpy as jnp
from jax import lax
from jax.experimental import pallas as pl
from jax.experimental.pallas import tpu as pltpu
from jax.experimental.pallas import tpu_sc as plsc

N = 100000
E = 6400000
D = 128
F = 3
W = 8

NPAD = 100096
ROWS_PER_TILE = NPAD // 16

G = 128
NGROUPS = E // G
C = 16
NSUPER = 97


def _sc_scatter(recv2, packed, zeros):
    mesh = plsc.VectorSubcoreMesh(core_axis_name="c", subcore_axis_name="s")

    @functools.partial(
        pl.kernel,
        out_type=jax.ShapeDtypeStruct((2, NPAD, W), jnp.float32),
        mesh=mesh,
        compiler_params=pltpu.CompilerParams(use_tc_tiling_on_sc=False),
        scratch_types=[
            pltpu.VMEM_SHARED((NPAD, W), jnp.float32),
            pltpu.VMEM((C, G), jnp.int32),
            pltpu.VMEM((C * G, W), jnp.float32),
        ],
    )
    def body(recv_h, p_h, zeros_h, out_h, table, idx_v, p_v):
        cid = lax.axis_index("c")
        sid = lax.axis_index("s")
        wid = cid * 16 + sid

        r0 = sid * ROWS_PER_TILE
        pltpu.sync_copy(zeros_h.at[pl.ds(r0, ROWS_PER_TILE)],
                        table.at[pl.ds(r0, ROWS_PER_TILE)])
        plsc.subcore_barrier()

        gstart = wid * 1562 + jnp.minimum(wid, 16)

        def super_body(s, carry):
            g0 = gstart + s * C
            pltpu.sync_copy(recv_h.at[pl.ds(g0, C)], idx_v)
            pltpu.sync_copy(p_h.at[pl.ds(g0 * G, C * G)], p_v)
            for j in range(C):
                pltpu.sync_copy(p_v.at[pl.ds(j * G, G)],
                                table.at[idx_v.at[j]], add=True)
            return carry

        lax.fori_loop(0, NSUPER, super_body, 0)

        ntail = jnp.where(wid < 16, 11, 10)

        def tail_body(k, carry):
            g = gstart + NSUPER * C + k
            pltpu.sync_copy(recv_h.at[pl.ds(g, 1)], idx_v.at[pl.ds(0, 1)])
            pltpu.sync_copy(p_h.at[pl.ds(g * G, G)], p_v.at[pl.ds(0, G)])
            pltpu.sync_copy(p_v.at[pl.ds(0, G)],
                            table.at[idx_v.at[0]], add=True)
            return carry

        lax.fori_loop(0, ntail, tail_body, 0)
        plsc.subcore_barrier()

        pltpu.sync_copy(table.at[pl.ds(r0, ROWS_PER_TILE)],
                        out_h.at[cid, pl.ds(r0, ROWS_PER_TILE)])

    return body(recv2, packed, zeros)


BN = 2000


def _mlp_body(x_ref, w1_ref, b1_ref, w2_ref, b2_ref, v_ref):
    x = x_ref[...]
    h = jnp.maximum(
        jnp.dot(x, w1_ref[...], preferred_element_type=jnp.float32)
        + b1_ref[...], 0.0)
    v_ref[...] = (jnp.dot(h, w2_ref[...], preferred_element_type=jnp.float32)
                  + b2_ref[...])


def _tc_mlp(x, w1cat, b1cat, w2bd, b2cat):
    grid = (N // BN,)
    full = lambda i: (0, 0)
    row = lambda i: (i, 0)
    return pl.pallas_call(
        _mlp_body,
        grid=grid,
        in_specs=[
            pl.BlockSpec((BN, D), row),
            pl.BlockSpec((D, 3 * D), full),
            pl.BlockSpec((1, 3 * D), full),
            pl.BlockSpec((3 * D, 3), full),
            pl.BlockSpec((1, 3), full),
        ],
        out_specs=pl.BlockSpec((BN, F), row),
        out_shape=jax.ShapeDtypeStruct((N, F), jnp.float32),
    )(x, w1cat, b1cat, w2bd, b2cat)


def _comb_body(v_ref, p0_ref, p1_ref, dv_ref, dw_ref):
    v = v_ref[...]
    p = p0_ref[...] + p1_ref[...]
    dv_ref[...] = v[:, 0:1] * p[:, 0:3] + v[:, 2:3]
    dw_ref[...] = v[:, 1:2] * p[:, 3:6]


def _tc_combine(v, p0, p1):
    grid = (N // BN,)
    row = lambda i: (i, 0)
    return pl.pallas_call(
        _comb_body,
        grid=grid,
        in_specs=[
            pl.BlockSpec((BN, F), row),
            pl.BlockSpec((BN, W), row),
            pl.BlockSpec((BN, W), row),
        ],
        out_specs=[pl.BlockSpec((BN, F), row), pl.BlockSpec((BN, F), row)],
        out_shape=[jax.ShapeDtypeStruct((N, F), jnp.float32),
                   jax.ShapeDtypeStruct((N, F), jnp.float32)],
    )(v, p0, p1)


def kernel(edge_index, node_latent, fij, tij,
           m_W1, m_b1, m_W2, m_b2,
           i_W1, i_b1, i_W2, i_b2,
           d_W1, d_b1, d_W2, d_b2):
    recv2 = edge_index[1].astype(jnp.int32).reshape(NGROUPS, G)
    packed = jnp.concatenate(
        [fij, tij, jnp.zeros((E, 2), jnp.float32)], axis=1)
    zeros = jnp.zeros((NPAD, W), jnp.float32)

    parts = _sc_scatter(recv2, packed, zeros)

    w1cat = jnp.concatenate([m_W1, i_W1, d_W1], axis=1)
    b1cat = jnp.concatenate([m_b1, i_b1, d_b1]).reshape(1, 3 * D)
    z = jnp.zeros((D, 1), jnp.float32)
    w2bd = jnp.concatenate([
        jnp.concatenate([m_W2, z, z], axis=1),
        jnp.concatenate([z, i_W2, z], axis=1),
        jnp.concatenate([z, z, d_W2], axis=1),
    ], axis=0)
    b2cat = jnp.stack([m_b2[0], i_b2[0], d_b2[0]]).reshape(1, 3)

    v = _tc_mlp(node_latent, w1cat, b1cat, w2bd, b2cat)
    dv, dw = _tc_combine(v, parts[0, :N], parts[1, :N])
    return (dv, dw)

# --- scband reference (transcript-rebuilt; emitter-appended) ---
"""Pipeline reference for scband-node-internal-dv-decoder-28217935135446 (READ-ONLY COPY).

The authoritative reference and input builder live on the scoring server;
editing this copy changes nothing except your own understanding.
"""

import jax, jax.numpy as jnp
import numpy as np

N = 100000
E = 6400000
D = 128
F = 3

def _mlp(x, W1, b1, W2, b2):
    h = jnp.maximum(x @ W1 + b1, 0.0)
    return h @ W2 + b2

def setup_inputs(seed: int = 0) -> dict:
    key = jax.random.key(seed)
    ks = jax.random.split(key, 20)
    inp = {}
    inp['edge_index'] = jax.random.randint(ks[0], (2, E), 0, N, dtype=jnp.int64)
    inp['node_latent'] = jax.random.normal(ks[1], (N, D), dtype=jnp.float32)
    inp['fij'] = jax.random.normal(ks[2], (E, F), dtype=jnp.float32)
    inp['tij'] = jax.random.normal(ks[3], (E, F), dtype=jnp.float32)
    # parameters for three 2-layer MLPs (latent -> latent -> 1), no layer norm
    names = ['m', 'i', 'd']
    for j, nm in enumerate(names):
        inp[nm + '_W1'] = jax.random.normal(ks[4 + 4 * j], (D, D), dtype=jnp.float32) * 0.05
        inp[nm + '_b1'] = jnp.zeros((D,), dtype=jnp.float32)
        inp[nm + '_W2'] = jax.random.normal(ks[5 + 4 * j], (D, 1), dtype=jnp.float32) * 0.05
        inp[nm + '_b2'] = jnp.zeros((1,), dtype=jnp.float32)
    return inp

def reference(edge_index, node_latent, fij, tij,
              m_W1, m_b1, m_W2, m_b2,
              i_W1, i_b1, i_W2, i_b2,
              d_W1, d_b1, d_W2, d_b2):
    m_inv = _mlp(node_latent, m_W1, m_b1, m_W2, m_b2)  # [N, 1]
    i_inv = _mlp(node_latent, i_W1, i_b1, i_W2, i_b2)  # [N, 1]
    receivers = edge_index[1]
    n = node_latent.shape[0]
    out_fij = jnp.zeros((n, fij.shape[1]), dtype=fij.dtype).at[receivers].add(fij)
    node_dv_int = m_inv * out_fij + _mlp(node_latent, d_W1, d_b1, d_W2, d_b2)
    out_tij = jnp.zeros((n, tij.shape[1]), dtype=tij.dtype).at[receivers].add(tij)
    node_dw_int = i_inv * out_tij
    return (node_dv_int, node_dw_int)

if __name__ == "__main__":
    import jax
    _d = setup_inputs()
    print(jax.jit(kernel)(*tuple(_d.values())))

</pallas_src>

<mosaic_0001>
#map = affine_map<(d0, d1) -> (0, 0)>
#map1 = affine_map<(d0, d1) -> (0, 0, 0)>
module attributes {stable_mosaic.version = 14 : i64} {
  func.func @body(%arg0: i32, %arg1: i32, %arg2: memref<50000x128xi32, #tpu.memory_space<hbm>>, %arg3: memref<6400000x8xf32, #tpu.memory_space<hbm>>, %arg4: memref<100096x8xf32, #tpu.memory_space<hbm>>, %arg5: memref<2x100096x8xf32, #tpu.memory_space<hbm>>, %arg6: memref<100096x8xf32, #tpu.memory_space<vmem_shared>>, %arg7: memref<16x128xi32, #tpu.memory_space<vmem>>, %arg8: memref<2048x8xf32, #tpu.memory_space<vmem>>) attributes {dimension_semantics = [#tpu.dimension_semantics<core_parallel>, #tpu.dimension_semantics<subcore_parallel>], iteration_bounds = array<i64: 2, 16>, scalar_prefetch = 0 : i64, scratch_operands = 3 : i64, tpu.core_type = #tpu.core_type<sc_vector_subcore>, window_params = [{transform_indices = #map}, {transform_indices = #map}, {transform_indices = #map}, {transform_indices = #map1}]} {
    %mul3A = arith.constant 16 : i32
    %mul3A_0 = arith.muli %arg0, %mul3A : i32
    %add3A = arith.addi %mul3A_0, %arg1 : i32
    %mul3A_1 = arith.constant 6256 : i32
    %mul3A_2 = arith.muli %arg1, %mul3A_1 : i32
    "tpu.region"() ({
      %run_scoped3A = tpu.sem_alloc : memref<!tpu.dma_semaphore, #tpu.memory_space<semaphore_mem>>
      %dma_start3A = arith.constant 0 : i32
      %dma_start3A_24 = tpu.memref_slice %arg6[%mul3A_2, %dma_start3A] : memref<100096x8xf32, #tpu.memory_space<vmem_shared>> -> memref<6256x8xf32, #tpu.memory_space<vmem_shared>>
      %dma_start3A_25 = arith.constant 0 : i32
      %dma_start3A_26 = tpu.memref_slice %arg4[%mul3A_2, %dma_start3A_25] : memref<100096x8xf32, #tpu.memory_space<hbm>> -> memref<6256x8xf32, #tpu.memory_space<hbm>>
      tpu.enqueue_dma source(%dma_start3A_26 : memref<6256x8xf32, #tpu.memory_space<hbm>>) target(%dma_start3A_24 : memref<6256x8xf32, #tpu.memory_space<vmem_shared>>) target_semaphore(%run_scoped3A : memref<!tpu.dma_semaphore, #tpu.memory_space<semaphore_mem>>)
      %dma_wait3A = arith.constant 0 : i32
      %dma_wait3A_27 = tpu.memref_slice %arg6[%mul3A_2, %dma_wait3A] : memref<100096x8xf32, #tpu.memory_space<vmem_shared>> -> memref<6256x8xf32, #tpu.memory_space<vmem_shared>>
      %dma_wait3A_28 = arith.constant 0 : i32
      %dma_wait3A_29 = tpu.memref_slice %arg4[%mul3A_2, %dma_wait3A_28] : memref<100096x8xf32, #tpu.memory_space<hbm>> -> memref<6256x8xf32, #tpu.memory_space<hbm>>
      tpu.wait_dma2 semaphore(%run_scoped3A : memref<!tpu.dma_semaphore, #tpu.memory_space<semaphore_mem>>) src(%dma_wait3A_29 : memref<6256x8xf32, #tpu.memory_space<hbm>>) dst(%dma_wait3A_27 : memref<6256x8xf32, #tpu.memory_space<vmem_shared>>)
      tpu.yield
    }) : () -> ()
    %barrier3A = arith.constant 0 : index
    tpu.barrier barrier_id(%barrier3A)
    %mul3A_3 = arith.constant 1562 : i32
    %mul3A_4 = arith.muli %add3A, %mul3A_3 : i32
    %min3A = arith.constant 16 : i32
    %min3A_5 = arith.minsi %add3A, %min3A : i32
    %add3A_6 = arith.addi %mul3A_4, %min3A_5 : i32
    %scan3A = arith.constant 0 : i32
    %scan3A_7 = arith.constant 0 : i32
    %scan3A_8 = arith.constant 97 : i32
    %scan3A_9 = arith.addi %scan3A_7, %scan3A_8 : i32
    %scan3A_10 = arith.constant 1 : i32
    scf.for %scan3A_24 = %scan3A_7 to %scan3A_9 step %scan3A_10  : i32 {
      %mul3A_25 = arith.constant 16 : i32
      %mul3A_26 = arith.muli %scan3A_24, %mul3A_25 : i32
      %add3A_27 = arith.addi %add3A_6, %mul3A_26 : i32
      "tpu.region"() ({
        %run_scoped3A_45 = tpu.sem_alloc : memref<!tpu.dma_semaphore, #tpu.memory_space<semaphore_mem>>
        %dma_start3A = arith.constant 0 : i32
        %dma_start3A_46 = tpu.memref_slice %arg2[%add3A_27, %dma_start3A] : memref<50000x128xi32, #tpu.memory_space<hbm>> -> memref<16x128xi32, #tpu.memory_space<hbm>>
        %dma_start3A_47 = arith.constant 0 : i32
        %dma_start3A_48 = tpu.memref_slice %arg2[%add3A_27, %dma_start3A_47] : memref<50000x128xi32, #tpu.memory_space<hbm>> -> memref<16x128xi32, #tpu.memory_space<hbm>>
        tpu.enqueue_dma source(%dma_start3A_48 : memref<16x128xi32, #tpu.memory_space<hbm>>) target(%arg7 : memref<16x128xi32, #tpu.memory_space<vmem>>) target_semaphore(%run_scoped3A_45 : memref<!tpu.dma_semaphore, #tpu.memory_space<semaphore_mem>>)
        %dma_wait3A = arith.constant 0 : i32
        %dma_wait3A_49 = tpu.memref_slice %arg2[%add3A_27, %dma_wait3A] : memref<50000x128xi32, #tpu.memory_space<hbm>> -> memref<16x128xi32, #tpu.memory_space<hbm>>
        %dma_wait3A_50 = arith.constant 0 : i32
        %dma_wait3A_51 = tpu.memref_slice %arg2[%add3A_27, %dma_wait3A_50] : memref<50000x128xi32, #tpu.memory_space<hbm>> -> memref<16x128xi32, #tpu.memory_space<hbm>>
        tpu.wait_dma2 semaphore(%run_scoped3A_45 : memref<!tpu.dma_semaphore, #tpu.memory_space<semaphore_mem>>) src(%dma_wait3A_51 : memref<16x128xi32, #tpu.memory_space<hbm>>) dst(%arg7 : memref<16x128xi32, #tpu.memory_space<vmem>>)
        tpu.yield
      }) : () -> ()
      %mul3A_28 = arith.constant 128 : i32
      %mul3A_29 = arith.muli %add3A_27, %mul3A_28 : i32
      "tpu.region"() ({
        %run_scoped3A_45 = tpu.sem_alloc : memref<!tpu.dma_semaphore, #tpu.memory_space<semaphore_mem>>
        %dma_start3A = arith.constant 0 : i32
        %dma_start3A_46 = tpu.memref_slice %arg3[%mul3A_29, %dma_start3A] : memref<6400000x8xf32, #tpu.memory_space<hbm>> -> memref<2048x8xf32, #tpu.memory_space<hbm>>
        %dma_start3A_47 = arith.constant 0 : i32
        %dma_start3A_48 = tpu.memref_slice %arg3[%mul3A_29, %dma_start3A_47] : memref<6400000x8xf32, #tpu.memory_space<hbm>> -> memref<2048x8xf32, #tpu.memory_space<hbm>>
        tpu.enqueue_dma source(%dma_start3A_48 : memref<2048x8xf32, #tpu.memory_space<hbm>>) target(%arg8 : memref<2048x8xf32, #tpu.memory_space<vmem>>) target_semaphore(%run_scoped3A_45 : memref<!tpu.dma_semaphore, #tpu.memory_space<semaphore_mem>>)
        %dma_wait3A = arith.constant 0 : i32
        %dma_wait3A_49 = tpu.memref_slice %arg3[%mul3A_29, %dma_wait3A] : memref<6400000x8xf32, #tpu.memory_space<hbm>> -> memref<2048x8xf32, #tpu.memory_space<hbm>>
        %dma_wait3A_50 = arith.constant 0 : i32
        %dma_wait3A_51 = tpu.memref_slice %arg3[%mul3A_29, %dma_wait3A_50] : memref<6400000x8xf32, #tpu.memory_space<hbm>> -> memref<2048x8xf32, #tpu.memory_space<hbm>>
        tpu.wait_dma2 semaphore(%run_scoped3A_45 : memref<!tpu.dma_semaphore, #tpu.memory_space<semaphore_mem>>) src(%dma_wait3A_51 : memref<2048x8xf32, #tpu.memory_space<hbm>>) dst(%arg8 : memref<2048x8xf32, #tpu.memory_space<vmem>>)
        tpu.yield
      }) : () -> ()
      %run_scoped3A = arith.constant 0 : i32
      "tpu.region"() ({
        %run_scoped3A_45 = tpu.sem_alloc : memref<!tpu.dma_semaphore, #tpu.memory_space<semaphore_mem>>
        %dma_start3A = arith.constant 0 : i32
        %dma_start3A_46 = arith.constant 0 : i32
        %dma_start3A_47 = tpu.memref_slice %arg8[%dma_start3A, %dma_start3A_46] : memref<2048x8xf32, #tpu.memory_space<vmem>> -> memref<128x8xf32, #tpu.memory_space<vmem>>
        %dma_start3A_48 = arith.constant 0 : i32
        %dma_start3A_49 = tpu.memref_slice %arg7[%run_scoped3A, %dma_start3A_48] : memref<16x128xi32, #tpu.memory_space<vmem>> -> memref<1x128xi32, #tpu.memory_space<vmem>>
        %dma_start3A_50 = tpu.memref_squeeze %dma_start3A_49 : memref<1x128xi32, #tpu.memory_space<vmem>> -> memref<128xi32, #tpu.memory_space<vmem>>
        %dma_start3A_51 = arith.constant 0 : i32
        %dma_start3A_52 = arith.constant 0 : i32
        %dma_start3A_53 = tpu.memref_slice %arg6[%dma_start3A_51, %dma_start3A_52] : memref<100096x8xf32, #tpu.memory_space<vmem_shared>> -> memref<100096x8xf32, #tpu.memory_space<vmem_shared>>
        tpu.enqueue_indirect_dma source(%dma_start3A_47 : memref<128x8xf32, #tpu.memory_space<vmem>>) target(%dma_start3A_53 : memref<100096x8xf32, #tpu.memory_space<vmem_shared>>) offsets(%dma_start3A_50 : memref<128xi32, #tpu.memory_space<vmem>>) semaphore(%run_scoped3A_45 : memref<!tpu.dma_semaphore, #tpu.memory_space<semaphore_mem>>) {add = true}
        %dma_wait3A = arith.constant 0 : i32
        %dma_wait3A_54 = arith.constant 0 : i32
        %dma_wait3A_55 = tpu.memref_slice %arg8[%dma_wait3A, %dma_wait3A_54] : memref<2048x8xf32, #tpu.memory_space<vmem>> -> memref<128x8xf32, #tpu.memory_space<vmem>>
        %dma_wait3A_56 = arith.constant 0 : i32
        %dma_wait3A_57 = tpu.memref_slice %arg7[%run_scoped3A, %dma_wait3A_56] : memref<16x128xi32, #tpu.memory_space<vmem>> -> memref<1x128xi32, #tpu.memory_space<vmem>>
        %dma_wait3A_58 = tpu.memref_squeeze %dma_wait3A_57 : memref<1x128xi32, #tpu.memory_space<vmem>> -> memref<128xi32, #tpu.memory_space<vmem>>
        %dma_wait3A_59 = arith.constant 0 : i32
        %dma_wait3A_60 = arith.constant 0 : i32
        %dma_wait3A_61 = tpu.memref_slice %arg6[%dma_wait3A_59, %dma_wait3A_60] : memref<100096x8xf32, #tpu.memory_space<vmem_shared>> -> memref<100096x8xf32, #tpu.memory_space<vmem_shared>>
        tpu.wait_indirect_dma semaphore(%run_scoped3A_45 : memref<!tpu.dma_semaphore, #tpu.memory_space<semaphore_mem>>) src(%dma_wait3A_55 : memref<128x8xf32, #tpu.memory_space<vmem>>) dst(%dma_wait3A_61 : memref<100096x8xf32, #tpu.memory_space<vmem_shared>>)
        tpu.yield
      }) : () -> ()
      %run_scoped3A_30 = arith.constant 1 : i32
      "tpu.region"() ({
        %run_scoped3A_45 = tpu.sem_alloc : memref<!tpu.dma_semaphore, #tpu.memory_space<semaphore_mem>>
        %dma_start3A = arith.constant 128 : i32
        %dma_start3A_46 = arith.constant 0 : i32
        %dma_start3A_47 = tpu.memref_slice %arg8[%dma_start3A, %dma_start3A_46] : memref<2048x8xf32, #tpu.memory_space<vmem>> -> memref<128x8xf32, #tpu.memory_space<vmem>>
        %dma_start3A_48 = arith.constant 0 : i32
        %dma_start3A_49 = tpu.memref_slice %arg7[%run_scoped3A_30, %dma_start3A_48] : memref<16x128xi32, #tpu.memory_space<vmem>> -> memref<1x128xi32, #tpu.memory_space<vmem>>
        %dma_start3A_50 = tpu.memref_squeeze %dma_start3A_49 : memref<1x128xi32, #tpu.memory_space<vmem>> -> memref<128xi32, #tpu.memory_space<vmem>>
        %dma_start3A_51 = arith.constant 0 : i32
        %dma_start3A_52 = arith.constant 0 : i32
        %dma_start3A_53 = tpu.memref_slice %arg6[%dma_start3A_51, %dma_start3A_52] : memref<100096x8xf32, #tpu.memory_space<vmem_shared>> -> memref<100096x8xf32, #tpu.memory_space<vmem_shared>>
        tpu.enqueue_indirect_dma source(%dma_start3A_47 : memref<128x8xf32, #tpu.memory_space<vmem>>) target(%dma_start3A_53 : memref<100096x8xf32, #tpu.memory_space<vmem_shared>>) offsets(%dma_start3A_50 : memref<128xi32, #tpu.memory_space<vmem>>) semaphore(%run_scoped3A_45 : memref<!tpu.dma_semaphore, #tpu.memory_space<semaphore_mem>>) {add = true}
        %dma_wait3A = arith.constant 128 : i32
        %dma_wait3A_54 = arith.constant 0 : i32
        %dma_wait3A_55 = tpu.memref_slice %arg8[%dma_wait3A, %dma_wait3A_54] : memref<2048x8xf32, #tpu.memory_space<vmem>> -> memref<128x8xf32, #tpu.memory_space<vmem>>
        %dma_wait3A_56 = arith.constant 0 : i32
        %dma_wait3A_57 = tpu.memref_slice %arg7[%run_scoped3A_30, %dma_wait3A_56] : memref<16x128xi32, #tpu.memory_space<vmem>> -> memref<1x128xi32, #tpu.memory_space<vmem>>
        %dma_wait3A_58 = tpu.memref_squeeze %dma_wait3A_57 : memref<1x128xi32, #tpu.memory_space<vmem>> -> memref<128xi32, #tpu.memory_space<vmem>>
        %dma_wait3A_59 = arith.constant 0 : i32
        %dma_wait3A_60 = arith.constant 0 : i32
        %dma_wait3A_61 = tpu.memref_slice %arg6[%dma_wait3A_59, %dma_wait3A_60] : memref<100096x8xf32, #tpu.memory_space<vmem_shared>> -> memref<100096x8xf32, #tpu.memory_space<vmem_shared>>
        tpu.wait_indirect_dma semaphore(%run_scoped3A_45 : memref<!tpu.dma_semaphore, #tpu.memory_space<semaphore_mem>>) src(%dma_wait3A_55 : memref<128x8xf32, #tpu.memory_space<vmem>>) dst(%dma_wait3A_61 : memref<100096x8xf32, #tpu.memory_space<vmem_shared>>)
        tpu.yield
      }) : () -> ()
      %run_scoped3A_31 = arith.constant 2 : i32
      "tpu.region"() ({
        %run_scoped3A_45 = tpu.sem_alloc : memref<!tpu.dma_semaphore, #tpu.memory_space<semaphore_mem>>
        %dma_start3A = arith.constant 256 : i32
        %dma_start3A_46 = arith.constant 0 : i32
        %dma_start3A_47 = tpu.memref_slice %arg8[%dma_start3A, %dma_start3A_46] : memref<2048x8xf32, #tpu.memory_space<vmem>> -> memref<128x8xf32, #tpu.memory_space<vmem>>
        %dma_start3A_48 = arith.constant 0 : i32
        %dma_start3A_49 = tpu.memref_slice %arg7[%run_scoped3A_31, %dma_start3A_48] : memref<16x128xi32, #tpu.memory_space<vmem>> -> memref<1x128xi32, #tpu.memory_space<vmem>>
        %dma_start3A_50 = tpu.memref_squeeze %dma_start3A_49 : memref<1x128xi32, #tpu.memory_space<vmem>> -> memref<128xi32, #tpu.memory_space<vmem>>
        %dma_start3A_51 = arith.constant 0 : i32
        %dma_start3A_52 = arith.constant 0 : i32
        %dma_start3A_53 = tpu.memref_slice %arg6[%dma_start3A_51, %dma_start3A_52] : memref<100096x8xf32, #tpu.memory_space<vmem_shared>> -> memref<100096x8xf32, #tpu.memory_space<vmem_shared>>
        tpu.enqueue_indirect_dma source(%dma_start3A_47 : memref<128x8xf32, #tpu.memory_space<vmem>>) target(%dma_start3A_53 : memref<100096x8xf32, #tpu.memory_space<vmem_shared>>) offsets(%dma_start3A_50 : memref<128xi32, #tpu.memory_space<vmem>>) semaphore(%run_scoped3A_45 : memref<!tpu.dma_semaphore, #tpu.memory_space<semaphore_mem>>) {add = true}
        %dma_wait3A = arith.constant 256 : i32
        %dma_wait3A_54 = arith.constant 0 : i32
        %dma_wait3A_55 = tpu.memref_slice %arg8[%dma_wait3A, %dma_wait3A_54] : memref<2048x8xf32, #tpu.memory_space<vmem>> -> memref<128x8xf32, #tpu.memory_space<vmem>>
        %dma_wait3A_56 = arith.constant 0 : i32
        %dma_wait3A_57 = tpu.memref_slice %arg7[%run_scoped3A_31, %dma_wait3A_56] : memref<16x128xi32, #tpu.memory_space<vmem>> -> memref<1x128xi32, #tpu.memory_space<vmem>>
        %dma_wait3A_58 = tpu.memref_squeeze %dma_wait3A_57 : memref<1x128xi32, #tpu.memory_space<vmem>> -> memref<128xi32, #tpu.memory_space<vmem>>
        %dma_wait3A_59 = arith.constant 0 : i32
        %dma_wait3A_60 = arith.constant 0 : i32
        %dma_wait3A_61 = tpu.memref_slice %arg6[%dma_wait3A_59, %dma_wait3A_60] : memref<100096x8xf32, #tpu.memory_space<vmem_shared>> -> memref<100096x8xf32, #tpu.memory_space<vmem_shared>>
        tpu.wait_indirect_dma semaphore(%run_scoped3A_45 : memref<!tpu.dma_semaphore, #tpu.memory_space<semaphore_mem>>) src(%dma_wait3A_55 : memref<128x8xf32, #tpu.memory_space<vmem>>) dst(%dma_wait3A_61 : memref<100096x8xf32, #tpu.memory_space<vmem_shared>>)
        tpu.yield
      }) : () -> ()
      %run_scoped3A_32 = arith.constant 3 : i32
      "tpu.region"() ({
        %run_scoped3A_45 = tpu.sem_alloc : memref<!tpu.dma_semaphore, #tpu.memory_space<semaphore_mem>>
        %dma_start3A = arith.constant 384 : i32
        %dma_start3A_46 = arith.constant 0 : i32
        %dma_start3A_47 = tpu.memref_slice %arg8[%dma_start3A, %dma_start3A_46] : memref<2048x8xf32, #tpu.memory_space<vmem>> -> memref<128x8xf32, #tpu.memory_space<vmem>>
        %dma_start3A_48 = arith.constant 0 : i32
        %dma_start3A_49 = tpu.memref_slice %arg7[%run_scoped3A_32, %dma_start3A_48] : memref<16x128xi32, #tpu.memory_space<vmem>> -> memref<1x128xi32, #tpu.memory_space<vmem>>
        %dma_start3A_50 = tpu.memref_squeeze %dma_start3A_49 : memref<1x128xi32, #tpu.memory_space<vmem>> -> memref<128xi32, #tpu.memory_space<vmem>>
        %dma_start3A_51 = arith.constant 0 : i32
        %dma_start3A_52 = arith.constant 0 : i32
        %dma_start3A_53 = tpu.memref_slice %arg6[%dma_start3A_51, %dma_start3A_52] : memref<100096x8xf32, #tpu.memory_space<vmem_shared>> -> memref<100096x8xf32, #tpu.memory_space<vmem_shared>>
        tpu.enqueue_indirect_dma source(%dma_start3A_47 : memref<128x8xf32, #tpu.memory_space<vmem>>) target(%dma_start3A_53 : memref<100096x8xf32, #tpu.memory_space<vmem_shared>>) offsets(%dma_start3A_50 : memref<128xi32, #tpu.memory_space<vmem>>) semaphore(%run_scoped3A_45 : memref<!tpu.dma_semaphore, #tpu.memory_space<semaphore_mem>>) {add = true}
        %dma_wait3A = arith.constant 384 : i32
        %dma_wait3A_54 = arith.constant 0 : i32
        %dma_wait3A_55 = tpu.memref_slice %arg8[%dma_wait3A, %dma_wait3A_54] : memref<2048x8xf32, #tpu.memory_space<vmem>> -> memref<128x8xf32, #tpu.memory_space<vmem>>
        %dma_wait3A_56 = arith.constant 0 : i32
        %dma_wait3A_57 = tpu.memref_slice %arg7[%run_scoped3A_32, %dma_wait3A_56] : memref<16x128xi32, #tpu.memory_space<vmem>> -> memref<1x128xi32, #tpu.memory_space<vmem>>
        %dma_wait3A_58 = tpu.memref_squeeze %dma_wait3A_57 : memref<1x128xi32, #tpu.memory_space<vmem>> -> memref<128xi32, #tpu.memory_space<vmem>>
        %dma_wait3A_59 = arith.constant 0 : i32
        %dma_wait3A_60 = arith.constant 0 : i32
        %dma_wait3A_61 = tpu.memref_slice %arg6[%dma_wait3A_59, %dma_wait3A_60] : memref<100096x8xf32, #tpu.memory_space<vmem_shared>> -> memref<100096x8xf32, #tpu.memory_space<vmem_shared>>
        tpu.wait_indirect_dma semaphore(%run_scoped3A_45 : memref<!tpu.dma_semaphore, #tpu.memory_space<semaphore_mem>>) src(%dma_wait3A_55 : memref<128x8xf32, #tpu.memory_space<vmem>>) dst(%dma_wait3A_61 : memref<100096x8xf32, #tpu.memory_space<vmem_shared>>)
        tpu.yield
      }) : () -> ()
      %run_scoped3A_33 = arith.constant 4 : i32
      "tpu.region"() ({
        %run_scoped3A_45 = tpu.sem_alloc : memref<!tpu.dma_semaphore, #tpu.memory_space<semaphore_mem>>
        %dma_start3A = arith.constant 512 : i32
        %dma_start3A_46 = arith.constant 0 : i32
        %dma_start3A_47 = tpu.memref_slice %arg8[%dma_start3A, %dma_start3A_46] : memref<2048x8xf32, #tpu.memory_space<vmem>> -> memref<128x8xf32, #tpu.memory_space<vmem>>
        %dma_start3A_48 = arith.constant 0 : i32
        %dma_start3A_49 = tpu.memref_slice %arg7[%run_scoped3A_33, %dma_start3A_48] : memref<16x128xi32, #tpu.memory_space<vmem>> -> memref<1x128xi32, #tpu.memory_space<vmem>>
        %dma_start3A_50 = tpu.memref_squeeze %dma_start3A_49 : memref<1x128xi32, #tpu.memory_space<vmem>> -> memref<128xi32, #tpu.memory_space<vmem>>
        %dma_start3A_51 = arith.constant 0 : i32
        %dma_start3A_52 = arith.constant 0 : i32
        %dma_start3A_53 = tpu.memref_slice %arg6[%dma_start3A_51, %dma_start3A_52] : memref<100096x8xf32, #tpu.memory_space<vmem_shared>> -> memref<100096x8xf32, #tpu.memory_space<vmem_shared>>
        tpu.enqueue_indirect_dma source(%dma_start3A_47 : memref<128x8xf32, #tpu.memory_space<vmem>>) target(%dma_start3A_53 : memref<100096x8xf32, #tpu.memory_space<vmem_shared>>) offsets(%dma_start3A_50 : memref<128xi32, #tpu.memory_space<vmem>>) semaphore(%run_scoped3A_45 : memref<!tpu.dma_semaphore, #tpu.memory_space<semaphore_mem>>) {add = true}
        %dma_wait3A = arith.constant 512 : i32
        %dma_wait3A_54 = arith.constant 0 : i32
        %dma_wait3A_55 = tpu.memref_slice %arg8[%dma_wait3A, %dma_wait3A_54] : memref<2048x8xf32, #tpu.memory_space<vmem>> -> memref<128x8xf32, #tpu.memory_space<vmem>>
        %dma_wait3A_56 = arith.constant 0 : i32
        %dma_wait3A_57 = tpu.memref_slice %arg7[%run_scoped3A_33, %dma_wait3A_56] : memref<16x128xi32, #tpu.memory_space<vmem>> -> memref<1x128xi32, #tpu.memory_space<vmem>>
        %dma_wait3A_58 = tpu.memref_squeeze %dma_wait3A_57 : memref<1x128xi32, #tpu.memory_space<vmem>> -> memref<128xi32, #tpu.memory_space<vmem>>
        %dma_wait3A_59 = arith.constant 0 : i32
        %dma_wait3A_60 = arith.constant 0 : i32
        %dma_wait3A_61 = tpu.memref_slice %arg6[%dma_wait3A_59, %dma_wait3A_60] : memref<100096x8xf32, #tpu.memory_space<vmem_shared>> -> memref<100096x8xf32, #tpu.memory_space<vmem_shared>>
        tpu.wait_indirect_dma semaphore(%run_scoped3A_45 : memref<!tpu.dma_semaphore, #tpu.memory_space<semaphore_mem>>) src(%dma_wait3A_55 : memref<128x8xf32, #tpu.memory_space<vmem>>) dst(%dma_wait3A_61 : memref<100096x8xf32, #tpu.memory_space<vmem_shared>>)
        tpu.yield
      }) : () -> ()
      %run_scoped3A_34 = arith.constant 5 : i32
      "tpu.region"() ({
        %run_scoped3A_45 = tpu.sem_alloc : memref<!tpu.dma_semaphore, #tpu.memory_space<semaphore_mem>>
        %dma_start3A = arith.constant 640 : i32
        %dma_start3A_46 = arith.constant 0 : i32
        %dma_start3A_47 = tpu.memref_slice %arg8[%dma_start3A, %dma_start3A_46] : memref<2048x8xf32, #tpu.memory_space<vmem>> -> memref<128x8xf32, #tpu.memory_space<vmem>>
        %dma_start3A_48 = arith.constant 0 : i32
        %dma_start3A_49 = tpu.memref_slice %arg7[%run_scoped3A_34, %dma_start3A_48] : memref<16x128xi32, #tpu.memory_space<vmem>> -> memref<1x128xi32, #tpu.memory_space<vmem>>
        %dma_start3A_50 = tpu.memref_squeeze %dma_start3A_49 : memref<1x128xi32, #tpu.memory_space<vmem>> -> memref<128xi32, #tpu.memory_space<vmem>>
        %dma_start3A_51 = arith.constant 0 : i32
        %dma_start3A_52 = arith.constant 0 : i32
        %dma_start3A_53 = tpu.memref_slice %arg6[%dma_start3A_51, %dma_start3A_52] : memref<100096x8xf32, #tpu.memory_space<vmem_shared>> -> memref<100096x8xf32, #tpu.memory_space<vmem_shared>>
        tpu.enqueue_indirect_dma source(%dma_start3A_47 : memref<128x8xf32, #tpu.memory_space<vmem>>) target(%dma_start3A_53 : memref<100096x8xf32, #tpu.memory_space<vmem_shared>>) offsets(%dma_start3A_50 : memref<128xi32, #tpu.memory_space<vmem>>) semaphore(%run_scoped3A_45 : memref<!tpu.dma_semaphore, #tpu.memory_space<semaphore_mem>>) {add = true}
        %dma_wait3A = arith.constant 640 : i32
        %dma_wait3A_54 = arith.constant 0 : i32
        %dma_wait3A_55 = tpu.memref_slice %arg8[%dma_wait3A, %dma_wait3A_54] : memref<2048x8xf32, #tpu.memory_space<vmem>> -> memref<128x8xf32, #tpu.memory_space<vmem>>
        %dma_wait3A_56 = arith.constant 0 : i32
        %dma_wait3A_57 = tpu.memref_slice %arg7[%run_scoped3A_34, %dma_wait3A_56] : memref<16x128xi32, #tpu.memory_space<vmem>> -> memref<1x128xi32, #tpu.memory_space<vmem>>
        %dma_wait3A_58 = tpu.memref_squeeze %dma_wait3A_57 : memref<1x128xi32, #tpu.memory_space<vmem>> -> memref<128xi32, #tpu.memory_space<vmem>>
        %dma_wait3A_59 = arith.constant 0 : i32
        %dma_wait3A_60 = arith.constant 0 : i32
        %dma_wait3A_61 = tpu.memref_slice %arg6[%dma_wait3A_59, %dma_wait3A_60] : memref<100096x8xf32, #tpu.memory_space<vmem_shared>> -> memref<100096x8xf32, #tpu.memory_space<vmem_shared>>
        tpu.wait_indirect_dma semaphore(%run_scoped3A_45 : memref<!tpu.dma_semaphore, #tpu.memory_space<semaphore_mem>>) src(%dma_wait3A_55 : memref<128x8xf32, #tpu.memory_space<vmem>>) dst(%dma_wait3A_61 : memref<100096x8xf32, #tpu.memory_space<vmem_shared>>)
        tpu.yield
      }) : () -> ()
      %run_scoped3A_35 = arith.constant 6 : i32
      "tpu.region"() ({
        %run_scoped3A_45 = tpu.sem_alloc : memref<!tpu.dma_semaphore, #tpu.memory_space<semaphore_mem>>
        %dma_start3A = arith.constant 768 : i32
        %dma_start3A_46 = arith.constant 0 : i32
        %dma_start3A_47 = tpu.memref_slice %arg8[%dma_start3A, %dma_start3A_46] : memref<2048x8xf32, #tpu.memory_space<vmem>> -> memref<128x8xf32, #tpu.memory_space<vmem>>
        %dma_start3A_48 = arith.constant 0 : i32
        %dma_start3A_49 = tpu.memref_slice %arg7[%run_scoped3A_35, %dma_start3A_48] : memref<16x128xi32, #tpu.memory_space<vmem>> -> memref<1x128xi32, #tpu.memory_space<vmem>>
        %dma_start3A_50 = tpu.memref_squeeze %dma_start3A_49 : memref<1x128xi32, #tpu.memory_space<vmem>> -> memref<128xi32, #tpu.memory_space<vmem>>
        %dma_start3A_51 = arith.constant 0 : i32
        %dma_start3A_52 = arith.constant 0 : i32
        %dma_start3A_53 = tpu.memref_slice %arg6[%dma_start3A_51, %dma_start3A_52] : memref<100096x8xf32, #tpu.memory_space<vmem_shared>> -> memref<100096x8xf32, #tpu.memory_space<vmem_shared>>
        tpu.enqueue_indirect_dma source(%dma_start3A_47 : memref<128x8xf32, #tpu.memory_space<vmem>>) target(%dma_start3A_53 : memref<100096x8xf32, #tpu.memory_space<vmem_shared>>) offsets(%dma_start3A_50 : memref<128xi32, #tpu.memory_space<vmem>>) semaphore(%run_scoped3A_45 : memref<!tpu.dma_semaphore, #tpu.memory_space<semaphore_mem>>) {add = true}
        %dma_wait3A = arith.constant 768 : i32
        %dma_wait3A_54 = arith.constant 0 : i32
        %dma_wait3A_55 = tpu.memref_slice %arg8[%dma_wait3A, %dma_wait3A_54] : memref<2048x8xf32, #tpu.memory_space<vmem>> -> memref<128x8xf32, #tpu.memory_space<vmem>>
        %dma_wait3A_56 = arith.constant 0 : i32
        %dma_wait3A_57 = tpu.memref_slice %arg7[%run_scoped3A_35, %dma_wait3A_56] : memref<16x128xi32, #tpu.memory_space<vmem>> -> memref<1x128xi32, #tpu.memory_space<vmem>>
        %dma_wait3A_58 = tpu.memref_squeeze %dma_wait3A_57 : memref<1x128xi32, #tpu.memory_space<vmem>> -> memref<128xi32, #tpu.memory_space<vmem>>
        %dma_wait3A_59 = arith.constant 0 : i32
        %dma_wait3A_60 = arith.constant 0 : i32
        %dma_wait3A_61 = tpu.memref_slice %arg6[%dma_wait3A_59, %dma_wait3A_60] : memref<100096x8xf32, #tpu.memory_space<vmem_shared>> -> memref<100096x8xf32, #tpu.memory_space<vmem_shared>>
        tpu.wait_indirect_dma semaphore(%run_scoped3A_45 : memref<!tpu.dma_semaphore, #tpu.memory_space<semaphore_mem>>) src(%dma_wait3A_55 : memref<128x8xf32, #tpu.memory_space<vmem>>) dst(%dma_wait3A_61 : memref<100096x8xf32, #tpu.memory_space<vmem_shared>>)
        tpu.yield
      }) : () -> ()
      %run_scoped3A_36 = arith.constant 7 : i32
      "tpu.region"() ({
        %run_scoped3A_45 = tpu.sem_alloc : memref<!tpu.dma_semaphore, #tpu.memory_space<semaphore_mem>>
        %dma_start3A = arith.constant 896 : i32
        %dma_start3A_46 = arith.constant 0 : i32
        %dma_start3A_47 = tpu.memref_slice %arg8[%dma_start3A, %dma_start3A_46] : memref<2048x8xf32, #tpu.memory_space<vmem>> -> memref<128x8xf32, #tpu.memory_space<vmem>>
        %dma_start3A_48 = arith.constant 0 : i32
        %dma_start3A_49 = tpu.memref_slice %arg7[%run_scoped3A_36, %dma_start3A_48] : memref<16x128xi32, #tpu.memory_space<vmem>> -> memref<1x128xi32, #tpu.memory_space<vmem>>
        %dma_start3A_50 = tpu.memref_squeeze %dma_start3A_49 : memref<1x128xi32, #tpu.memory_space<vmem>> -> memref<128xi32, #tpu.memory_space<vmem>>
        %dma_start3A_51 = arith.constant 0 : i32
        %dma_start3A_52 = arith.constant 0 : i32
        %dma_start3A_53 = tpu.memref_slice %arg6[%dma_start3A_51, %dma_start3A_52] : memref<100096x8xf32, #tpu.memory_space<vmem_shared>> -> memref<100096x8xf32, #tpu.memory_space<vmem_shared>>
        tpu.enqueue_indirect_dma source(%dma_start3A_47 : memref<128x8xf32, #tpu.memory_space<vmem>>) target(%dma_start3A_53 : memref<100096x8xf32, #tpu.memory_space<vmem_shared>>) offsets(%dma_start3A_50 : memref<128xi32, #tpu.memory_space<vmem>>) semaphore(%run_scoped3A_45 : memref<!tpu.dma_semaphore, #tpu.memory_space<semaphore_mem>>) {add = true}
        %dma_wait3A = arith.constant 896 : i32
        %dma_wait3A_54 = arith.constant 0 : i32
        %dma_wait3A_55 = tpu.memref_slice %arg8[%dma_wait3A, %dma_wait3A_54] : memref<2048x8xf32, #tpu.memory_space<vmem>> -> memref<128x8xf32, #tpu.memory_space<vmem>>
        %dma_wait3A_56 = arith.constant 0 : i32
        %dma_wait3A_57 = tpu.memref_slice %arg7[%run_scoped3A_36, %dma_wait3A_56] : memref<16x128xi32, #tpu.memory_space<vmem>> -> memref<1x128xi32, #tpu.memory_space<vmem>>
        %dma_wait3A_58 = tpu.memref_squeeze %dma_wait3A_57 : memref<1x128xi32, #tpu.memory_space<vmem>> -> memref<128xi32, #tpu.memory_space<vmem>>
        %dma_wait3A_59 = arith.constant 0 : i32
        %dma_wait3A_60 = arith.constant 0 : i32
        %dma_wait3A_61 = tpu.memref_slice %arg6[%dma_wait3A_59, %dma_wait3A_60] : memref<100096x8xf32, #tpu.memory_space<vmem_shared>> -> memref<100096x8xf32, #tpu.memory_space<vmem_shared>>
        tpu.wait_indirect_dma semaphore(%run_scoped3A_45 : memref<!tpu.dma_semaphore, #tpu.memory_space<semaphore_mem>>) src(%dma_wait3A_55 : memref<128x8xf32, #tpu.memory_space<vmem>>) dst(%dma_wait3A_61 : memref<100096x8xf32, #tpu.memory_space<vmem_shared>>)
        tpu.yield
      }) : () -> ()
      %run_scoped3A_37 = arith.constant 8 : i32
      "tpu.region"() ({
        %run_scoped3A_45 = tpu.sem_alloc : memref<!tpu.dma_semaphore, #tpu.memory_space<semaphore_mem>>
        %dma_start3A = arith.constant 1024 : i32
        %dma_start3A_46 = arith.constant 0 : i32
        %dma_start3A_47 = tpu.memref_slice %arg8[%dma_start3A, %dma_start3A_46] : memref<2048x8xf32, #tpu.memory_space<vmem>> -> memref<128x8xf32, #tpu.memory_space<vmem>>
        %dma_start3A_48 = arith.constant 0 : i32
        %dma_start3A_49 = tpu.memref_slice %arg7[%run_scoped3A_37, %dma_start3A_48] : memref<16x128xi32, #tpu.memory_space<vmem>> -> memref<1x128xi32, #tpu.memory_space<vmem>>
        %dma_start3A_50 = tpu.memref_squeeze %dma_start3A_49 : memref<1x128xi32, #tpu.memory_space<vmem>> -> memref<128xi32, #tpu.memory_space<vmem>>
        %dma_start3A_51 = arith.constant 0 : i32
        %dma_start3A_52 = arith.constant 0 : i32
        %dma_start3A_53 = tpu.memref_slice %arg6[%dma_start3A_51, %dma_start3A_52] : memref<100096x8xf32, #tpu.memory_space<vmem_shared>> -> memref<100096x8xf32, #tpu.memory_space<vmem_shared>>
        tpu.enqueue_indirect_dma source(%dma_start3A_47 : memref<128x8xf32, #tpu.memory_space<vmem>>) target(%dma_start3A_53 : memref<100096x8xf32, #tpu.memory_space<vmem_shared>>) offsets(%dma_start3A_50 : memref<128xi32, #tpu.memory_space<vmem>>) semaphore(%run_scoped3A_45 : memref<!tpu.dma_semaphore, #tpu.memory_space<semaphore_mem>>) {add = true}
        %dma_wait3A = arith.constant 1024 : i32
        %dma_wait3A_54 = arith.constant 0 : i32
        %dma_wait3A_55 = tpu.memref_slice %arg8[%dma_wait3A, %dma_wait3A_54] : memref<2048x8xf32, #tpu.memory_space<vmem>> -> memref<128x8xf32, #tpu.memory_space<vmem>>
        %dma_wait3A_56 = arith.constant 0 : i32
        %dma_wait3A_57 = tpu.memref_slice %arg7[%run_scoped3A_37, %dma_wait3A_56] : memref<16x128xi32, #tpu.memory_space<vmem>> -> memref<1x128xi32, #tpu.memory_space<vmem>>
        %dma_wait3A_58 = tpu.memref_squeeze %dma_wait3A_57 : memref<1x128xi32, #tpu.memory_space<vmem>> -> memref<128xi32, #tpu.memory_space<vmem>>
        %dma_wait3A_59 = arith.constant 0 : i32
        %dma_wait3A_60 = arith.constant 0 : i32
        %dma_wait3A_61 = tpu.memref_slice %arg6[%dma_wait3A_59, %dma_wait3A_60] : memref<100096x8xf32, #tpu.memory_space<vmem_shared>> -> memref<100096x8xf32, #tpu.memory_space<vmem_shared>>
        tpu.wait_indirect_dma semaphore(%run_scoped3A_45 : memref<!tpu.dma_semaphore, #tpu.memory_space<semaphore_mem>>) src(%dma_wait3A_55 : memref<128x8xf32, #tpu.memory_space<vmem>>) dst(%dma_wait3A_61 : memref<100096x8xf32, #tpu.memory_space<vmem_shared>>)
        tpu.yield
      }) : () -> ()
      %run_scoped3A_38 = arith.constant 9 : i32
      "tpu.region"() ({
        %run_scoped3A_45 = tpu.sem_alloc : memref<!tpu.dma_semaphore, #tpu.memory_space<semaphore_mem>>
        %dma_start3A = arith.constant 1152 : i32
        %dma_start3A_46 = arith.constant 0 : i32
        %dma_start3A_47 = tpu.memref_slice %arg8[%dma_start3A, %dma_start3A_46] : memref<2048x8xf32, #tpu.memory_space<vmem>> -> memref<128x8xf32, #tpu.memory_space<vmem>>
        %dma_start3A_48 = arith.constant 0 : i32
        %dma_start3A_49 = tpu.memref_slice %arg7[%run_scoped3A_38, %dma_start3A_48] : memref<16x128xi32, #tpu.memory_space<vmem>> -> memref<1x128xi32, #tpu.memory_space<vmem>>
        %dma_start3A_50 = tpu.memref_squeeze %dma_start3A_49 : memref<1x128xi32, #tpu.memory_space<vmem>> -> memref<128xi32, #tpu.memory_space<vmem>>
        %dma_start3A_51 = arith.constant 0 : i32
        %dma_start3A_52 = arith.constant 0 : i32
        %dma_start3A_53 = tpu.memref_slice %arg6[%dma_start3A_51, %dma_start3A_52] : memref<100096x8xf32, #tpu.memory_space<vmem_shared>> -> memref<100096x8xf32, #tpu.memory_space<vmem_shared>>
        tpu.enqueue_indirect_dma source(%dma_start3A_47 : memref<128x8xf32, #tpu.memory_space<vmem>>) target(%dma_start3A_53 : memref<100096x8xf32, #tpu.memory_space<vmem_shared>>) offsets(%dma_start3A_50 : memref<128xi32, #tpu.memory_space<vmem>>) semaphore(%run_scoped3A_45 : memref<!tpu.dma_semaphore, #tpu.memory_space<semaphore_mem>>) {add = true}
        %dma_wait3A = arith.constant 1152 : i32
        %dma_wait3A_54 = arith.constant 0 : i32
        %dma_wait3A_55 = tpu.memref_slice %arg8[%dma_wait3A, %dma_wait3A_54] : memref<2048x8xf32, #tpu.memory_space<vmem>> -> memref<128x8xf32, #tpu.memory_space<vmem>>
        %dma_wait3A_56 = arith.constant 0 : i32
        %dma_wait3A_57 = tpu.memref_slice %arg7[%run_scoped3A_38, %dma_wait3A_56] : memref<16x128xi32, #tpu.memory_space<vmem>> -> memref<1x128xi32, #tpu.memory_space<vmem>>
        %dma_wait3A_58 = tpu.memref_squeeze %dma_wait3A_57 : memref<1x128xi32, #tpu.memory_space<vmem>> -> memref<128xi32, #tpu.memory_space<vmem>>
        %dma_wait3A_59 = arith.constant 0 : i32
        %dma_wait3A_60 = arith.constant 0 : i32
        %dma_wait3A_61 = tpu.memref_slice %arg6[%dma_wait3A_59, %dma_wait3A_60] : memref<100096x8xf32, #tpu.memory_space<vmem_shared>> -> memref<100096x8xf32, #tpu.memory_space<vmem_shared>>
        tpu.wait_indirect_dma semaphore(%run_scoped3A_45 : memref<!tpu.dma_semaphore, #tpu.memory_space<semaphore_mem>>) src(%dma_wait3A_55 : memref<128x8xf32, #tpu.memory_space<vmem>>) dst(%dma_wait3A_61 : memref<100096x8xf32, #tpu.memory_space<vmem_shared>>)
        tpu.yield
      }) : () -> ()
      %run_scoped3A_39 = arith.constant 10 : i32
      "tpu.region"() ({
        %run_scoped3A_45 = tpu.sem_alloc : memref<!tpu.dma_semaphore, #tpu.memory_space<semaphore_mem>>
        %dma_start3A = arith.constant 1280 : i32
        %dma_start3A_46 = arith.constant 0 : i32
        %dma_start3A_47 = tpu.memref_slice %arg8[%dma_start3A, %dma_start3A_46] : memref<2048x8xf32, #tpu.memory_space<vmem>> -> memref<128x8xf32, #tpu.memory_space<vmem>>
        %dma_start3A_48 = arith.constant 0 : i32
        %dma_start3A_49 = tpu.memref_slice %arg7[%run_scoped3A_39, %dma_start3A_48] : memref<16x128xi32, #tpu.memory_space<vmem>> -> memref<1x128xi32, #tpu.memory_space<vmem>>
        %dma_start3A_50 = tpu.memref_squeeze %dma_start3A_49 : memref<1x128xi32, #tpu.memory_space<vmem>> -> memref<128xi32, #tpu.memory_space<vmem>>
        %dma_start3A_51 = arith.constant 0 : i32
        %dma_start3A_52 = arith.constant 0 : i32
        %dma_start3A_53 = tpu.memref_slice %arg6[%dma_start3A_51, %dma_start3A_52] : memref<100096x8xf32, #tpu.memory_space<vmem_shared>> -> memref<100096x8xf32, #tpu.memory_space<vmem_shared>>
        tpu.enqueue_indirect_dma source(%dma_start3A_47 : memref<128x8xf32, #tpu.memory_space<vmem>>) target(%dma_start3A_53 : memref<100096x8xf32, #tpu.memory_space<vmem_shared>>) offsets(%dma_start3A_50 : memref<128xi32, #tpu.memory_space<vmem>>) semaphore(%run_scoped3A_45 : memref<!tpu.dma_semaphore, #tpu.memory_space<semaphore_mem>>) {add = true}
        %dma_wait3A = arith.constant 1280 : i32
        %dma_wait3A_54 = arith.constant 0 : i32
        %dma_wait3A_55 = tpu.memref_slice %arg8[%dma_wait3A, %dma_wait3A_54] : memref<2048x8xf32, #tpu.memory_space<vmem>> -> memref<128x8xf32, #tpu.memory_space<vmem>>
        %dma_wait3A_56 = arith.constant 0 : i32
        %dma_wait3A_57 = tpu.memref_slice %arg7[%run_scoped3A_39, %dma_wait3A_56] : memref<16x128xi32, #tpu.memory_space<vmem>> -> memref<1x128xi32, #tpu.memory_space<vmem>>
        %dma_wait3A_58 = tpu.memref_squeeze %dma_wait3A_57 : memref<1x128xi32, #tpu.memory_space<vmem>> -> memref<128xi32, #tpu.memory_space<vmem>>
        %dma_wait3A_59 = arith.constant 0 : i32
        %dma_wait3A_60 = arith.constant 0 : i32
        %dma_wait3A_61 = tpu.memref_slice %arg6[%dma_wait3A_59, %dma_wait3A_60] : memref<100096x8xf32, #tpu.memory_space<vmem_shared>> -> memref<100096x8xf32, #tpu.memory_space<vmem_shared>>
        tpu.wait_indirect_dma semaphore(%run_scoped3A_45 : memref<!tpu.dma_semaphore, #tpu.memory_space<semaphore_mem>>) src(%dma_wait3A_55 : memref<128x8xf32, #tpu.memory_space<vmem>>) dst(%dma_wait3A_61 : memref<100096x8xf32, #tpu.memory_space<vmem_shared>>)
        tpu.yield
      }) : () -> ()
      %run_scoped3A_40 = arith.constant 11 : i32
      "tpu.region"() ({
        %run_scoped3A_45 = tpu.sem_alloc : memref<!tpu.dma_semaphore, #tpu.memory_space<semaphore_mem>>
        %dma_start3A = arith.constant 1408 : i32
        %dma_start3A_46 = arith.constant 0 : i32
        %dma_start3A_47 = tpu.memref_slice %arg8[%dma_start3A, %dma_start3A_46] : memref<2048x8xf32, #tpu.memory_space<vmem>> -> memref<128x8xf32, #tpu.memory_space<vmem>>
        %dma_start3A_48 = arith.constant 0 : i32
        %dma_start3A_49 = tpu.memref_slice %arg7[%run_scoped3A_40, %dma_start3A_48] : memref<16x128xi32, #tpu.memory_space<vmem>> -> memref<1x128xi32, #tpu.memory_space<vmem>>
        %dma_start3A_50 = tpu.memref_squeeze %dma_start3A_49 : memref<1x128xi32, #tpu.memory_space<vmem>> -> memref<128xi32, #tpu.memory_space<vmem>>
        %dma_start3A_51 = arith.constant 0 : i32
        %dma_start3A_52 = arith.constant 0 : i32
        %dma_start3A_53 = tpu.memref_slice %arg6[%dma_start3A_51, %dma_start3A_52] : memref<100096x8xf32, #tpu.memory_space<vmem_shared>> -> memref<100096x8xf32, #tpu.memory_space<vmem_shared>>
        tpu.enqueue_indirect_dma source(%dma_start3A_47 : memref<128x8xf32, #tpu.memory_space<vmem>>) target(%dma_start3A_53 : memref<100096x8xf32, #tpu.memory_space<vmem_shared>>) offsets(%dma_start3A_50 : memref<128xi32, #tpu.memory_space<vmem>>) semaphore(%run_scoped3A_45 : memref<!tpu.dma_semaphore, #tpu.memory_space<semaphore_mem>>) {add = true}
        %dma_wait3A = arith.constant 1408 : i32
        %dma_wait3A_54 = arith.constant 0 : i32
        %dma_wait3A_55 = tpu.memref_slice %arg8[%dma_wait3A, %dma_wait3A_54] : memref<2048x8xf32, #tpu.memory_space<vmem>> -> memref<128x8xf32, #tpu.memory_space<vmem>>
        %dma_wait3A_56 = arith.constant 0 : i32
        %dma_wait3A_57 = tpu.memref_slice %arg7[%run_scoped3A_40, %dma_wait3A_56] : memref<16x128xi32, #tpu.memory_space<vmem>> -> memref<1x128xi32, #tpu.memory_space<vmem>>
        %dma_wait3A_58 = tpu.memref_squeeze %dma_wait3A_57 : memref<1x128xi32, #tpu.memory_space<vmem>> -> memref<128xi32, #tpu.memory_space<vmem>>
        %dma_wait3A_59 = arith.constant 0 : i32
        %dma_wait3A_60 = arith.constant 0 : i32
        %dma_wait3A_61 = tpu.memref_slice %arg6[%dma_wait3A_59, %dma_wait3A_60] : memref<100096x8xf32, #tpu.memory_space<vmem_shared>> -> memref<100096x8xf32, #tpu.memory_space<vmem_shared>>
        tpu.wait_indirect_dma semaphore(%run_scoped3A_45 : memref<!tpu.dma_semaphore, #tpu.memory_space<semaphore_mem>>) src(%dma_wait3A_55 : memref<128x8xf32, #tpu.memory_space<vmem>>) dst(%dma_wait3A_61 : memref<100096x8xf32, #tpu.memory_space<vmem_shared>>)
        tpu.yield
      }) : () -> ()
      %run_scoped3A_41 = arith.constant 12 : i32
      "tpu.region"() ({
        %run_scoped3A_45 = tpu.sem_alloc : memref<!tpu.dma_semaphore, #tpu.memory_space<semaphore_mem>>
        %dma_start3A = arith.constant 1536 : i32
        %dma_start3A_46 = arith.constant 0 : i32
        %dma_start3A_47 = tpu.memref_slice %arg8[%dma_start3A, %dma_start3A_46] : memref<2048x8xf32, #tpu.memory_space<vmem>> -> memref<128x8xf32, #tpu.memory_space<vmem>>
        %dma_start3A_48 = arith.constant 0 : i32
        %dma_start3A_49 = tpu.memref_slice %arg7[%run_scoped3A_41, %dma_start3A_48] : memref<16x128xi32, #tpu.memory_space<vmem>> -> memref<1x128xi32, #tpu.memory_space<vmem>>
        %dma_start3A_50 = tpu.memref_squeeze %dma_start3A_49 : memref<1x128xi32, #tpu.memory_space<vmem>> -> memref<128xi32, #tpu.memory_space<vmem>>
        %dma_start3A_51 = arith.constant 0 : i32
        %dma_start3A_52 = arith.constant 0 : i32
        %dma_start3A_53 = tpu.memref_slice %arg6[%dma_start3A_51, %dma_start3A_52] : memref<100096x8xf32, #tpu.memory_space<vmem_shared>> -> memref<100096x8xf32, #tpu.memory_space<vmem_shared>>
        tpu.enqueue_indirect_dma source(%dma_start3A_47 : memref<128x8xf32, #tpu.memory_space<vmem>>) target(%dma_start3A_53 : memref<100096x8xf32, #tpu.memory_space<vmem_shared>>) offsets(%dma_start3A_50 : memref<128xi32, #tpu.memory_space<vmem>>) semaphore(%run_scoped3A_45 : memref<!tpu.dma_semaphore, #tpu.memory_space<semaphore_mem>>) {add = true}
        %dma_wait3A = arith.constant 1536 : i32
        %dma_wait3A_54 = arith.constant 0 : i32
        %dma_wait3A_55 = tpu.memref_slice %arg8[%dma_wait3A, %dma_wait3A_54] : memref<2048x8xf32, #tpu.memory_space<vmem>> -> memref<128x8xf32, #tpu.memory_space<vmem>>
        %dma_wait3A_56 = arith.constant 0 : i32
        %dma_wait3A_57 = tpu.memref_slice %arg7[%run_scoped3A_41, %dma_wait3A_56] : memref<16x128xi32, #tpu.memory_space<vmem>> -> memref<1x128xi32, #tpu.memory_space<vmem>>
        %dma_wait3A_58 = tpu.memref_squeeze %dma_wait3A_57 : memref<1x128xi32, #tpu.memory_space<vmem>> -> memref<128xi32, #tpu.memory_space<vmem>>
        %dma_wait3A_59 = arith.constant 0 : i32
        %dma_wait3A_60 = arith.constant 0 : i32
        %dma_wait3A_61 = tpu.memref_slice %arg6[%dma_wait3A_59, %dma_wait3A_60] : memref<100096x8xf32, #tpu.memory_space<vmem_shared>> -> memref<100096x8xf32, #tpu.memory_space<vmem_shared>>
        tpu.wait_indirect_dma semaphore(%run_scoped3A_45 : memref<!tpu.dma_semaphore, #tpu.memory_space<semaphore_mem>>) src(%dma_wait3A_55 : memref<128x8xf32, #tpu.memory_space<vmem>>) dst(%dma_wait3A_61 : memref<100096x8xf32, #tpu.memory_space<vmem_shared>>)
        tpu.yield
      }) : () -> ()
      %run_scoped3A_42 = arith.constant 13 : i32
      "tpu.region"() ({
        %run_scoped3A_45 = tpu.sem_alloc : memref<!tpu.dma_semaphore, #tpu.memory_space<semaphore_mem>>
        %dma_start3A = arith.constant 1664 : i32
        %dma_start3A_46 = arith.constant 0 : i32
        %dma_start3A_47 = tpu.memref_slice %arg8[%dma_start3A, %dma_start3A_46] : memref<2048x8xf32, #tpu.memory_space<vmem>> -> memref<128x8xf32, #tpu.memory_space<vmem>>
        %dma_start3A_48 = arith.constant 0 : i32
        %dma_start3A_49 = tpu.memref_slice %arg7[%run_scoped3A_42, %dma_start3A_48] : memref<16x128xi32, #tpu.memory_space<vmem>> -> memref<1x128xi32, #tpu.memory_space<vmem>>
        %dma_start3A_50 = tpu.memref_squeeze %dma_start3A_49 : memref<1x128xi32, #tpu.memory_space<vmem>> -> memref<128xi32, #tpu.memory_space<vmem>>
        %dma_start3A_51 = arith.constant 0 : i32
        %dma_start3A_52 = arith.constant 0 : i32
        %dma_start3A_53 = tpu.memref_slice %arg6[%dma_start3A_51, %dma_start3A_52] : memref<100096x8xf32, #tpu.memory_space<vmem_shared>> -> memref<100096x8xf32, #tpu.memory_space<vmem_shared>>
        tpu.enqueue_indirect_dma source(%dma_start3A_47 : memref<128x8xf32, #tpu.memory_space<vmem>>) target(%dma_start3A_53 : memref<100096x8xf32, #tpu.memory_space<vmem_shared>>) offsets(%dma_start3A_50 : memref<128xi32, #tpu.memory_space<vmem>>) semaphore(%run_scoped3A_45 : memref<!tpu.dma_semaphore, #tpu.memory_space<semaphore_mem>>) {add = true}
        %dma_wait3A = arith.constant 1664 : i32
        %dma_wait3A_54 = arith.constant 0 : i32
        %dma_wait3A_55 = tpu.memref_slice %arg8[%dma_wait3A, %dma_wait3A_54] : memref<2048x8xf32, #tpu.memory_space<vmem>> -> memref<128x8xf32, #tpu.memory_space<vmem>>
        %dma_wait3A_56 = arith.constant 0 : i32
        %dma_wait3A_57 = tpu.memref_slice %arg7[%run_scoped3A_42, %dma_wait3A_56] : memref<16x128xi32, #tpu.memory_space<vmem>> -> memref<1x128xi32, #tpu.memory_space<vmem>>
        %dma_wait3A_58 = tpu.memref_squeeze %dma_wait3A_57 : memref<1x128xi32, #tpu.memory_space<vmem>> -> memref<128xi32, #tpu.memory_space<vmem>>
        %dma_wait3A_59 = arith.constant 0 : i32
        %dma_wait3A_60 = arith.constant 0 : i32
        %dma_wait3A_61 = tpu.memref_slice %arg6[%dma_wait3A_59, %dma_wait3A_60] : memref<100096x8xf32, #tpu.memory_space<vmem_shared>> -> memref<100096x8xf32, #tpu.memory_space<vmem_shared>>
        tpu.wait_indirect_dma semaphore(%run_scoped3A_45 : memref<!tpu.dma_semaphore, #tpu.memory_space<semaphore_mem>>) src(%dma_wait3A_55 : memref<128x8xf32, #tpu.memory_space<vmem>>) dst(%dma_wait3A_61 : memref<100096x8xf32, #tpu.memory_space<vmem_shared>>)
        tpu.yield
      }) : () -> ()
      %run_scoped3A_43 = arith.constant 14 : i32
      "tpu.region"() ({
        %run_scoped3A_45 = tpu.sem_alloc : memref<!tpu.dma_semaphore, #tpu.memory_space<semaphore_mem>>
        %dma_start3A = arith.constant 1792 : i32
        %dma_start3A_46 = arith.constant 0 : i32
        %dma_start3A_47 = tpu.memref_slice %arg8[%dma_start3A, %dma_start3A_46] : memref<2048x8xf32, #tpu.memory_space<vmem>> -> memref<128x8xf32, #tpu.memory_space<vmem>>
        %dma_start3A_48 = arith.constant 0 : i32
        %dma_start3A_49 = tpu.memref_slice %arg7[%run_scoped3A_43, %dma_start3A_48] : memref<16x128xi32, #tpu.memory_space<vmem>> -> memref<1x128xi32, #tpu.memory_space<vmem>>
        %dma_start3A_50 = tpu.memref_squeeze %dma_start3A_49 : memref<1x128xi32, #tpu.memory_space<vmem>> -> memref<128xi32, #tpu.memory_space<vmem>>
        %dma_start3A_51 = arith.constant 0 : i32
        %dma_start3A_52 = arith.constant 0 : i32
        %dma_start3A_53 = tpu.memref_slice %arg6[%dma_start3A_51, %dma_start3A_52] : memref<100096x8xf32, #tpu.memory_space<vmem_shared>> -> memref<100096x8xf32, #tpu.memory_space<vmem_shared>>
        tpu.enqueue_indirect_dma source(%dma_start3A_47 : memref<128x8xf32, #tpu.memory_space<vmem>>) target(%dma_start3A_53 : memref<100096x8xf32, #tpu.memory_space<vmem_shared>>) offsets(%dma_start3A_50 : memref<128xi32, #tpu.memory_space<vmem>>) semaphore(%run_scoped3A_45 : memref<!tpu.dma_semaphore, #tpu.memory_space<semaphore_mem>>) {add = true}
        %dma_wait3A = arith.constant 1792 : i32
        %dma_wait3A_54 = arith.constant 0 : i32
        %dma_wait3A_55 = tpu.memref_slice %arg8[%dma_wait3A, %dma_wait3A_54] : memref<2048x8xf32, #tpu.memory_space<vmem>> -> memref<128x8xf32, #tpu.memory_space<vmem>>
        %dma_wait3A_56 = arith.constant 0 : i32
        %dma_wait3A_57 = tpu.memref_slice %arg7[%run_scoped3A_43, %dma_wait3A_56] : memref<16x128xi32, #tpu.memory_space<vmem>> -> memref<1x128xi32, #tpu.memory_space<vmem>>
        %dma_wait3A_58 = tpu.memref_squeeze %dma_wait3A_57 : memref<1x128xi32, #tpu.memory_space<vmem>> -> memref<128xi32, #tpu.memory_space<vmem>>
        %dma_wait3A_59 = arith.constant 0 : i32
        %dma_wait3A_60 = arith.constant 0 : i32
        %dma_wait3A_61 = tpu.memref_slice %arg6[%dma_wait3A_59, %dma_wait3A_60] : memref<100096x8xf32, #tpu.memory_space<vmem_shared>> -> memref<100096x8xf32, #tpu.memory_space<vmem_shared>>
        tpu.wait_indirect_dma semaphore(%run_scoped3A_45 : memref<!tpu.dma_semaphore, #tpu.memory_space<semaphore_mem>>) src(%dma_wait3A_55 : memref<128x8xf32, #tpu.memory_space<vmem>>) dst(%dma_wait3A_61 : memref<100096x8xf32, #tpu.memory_space<vmem_shared>>)
        tpu.yield
      }) : () -> ()
      %run_scoped3A_44 = arith.constant 15 : i32
      "tpu.region"() ({
        %run_scoped3A_45 = tpu.sem_alloc : memref<!tpu.dma_semaphore, #tpu.memory_space<semaphore_mem>>
        %dma_start3A = arith.constant 1920 : i32
        %dma_start3A_46 = arith.constant 0 : i32
        %dma_start3A_47 = tpu.memref_slice %arg8[%dma_start3A, %dma_start3A_46] : memref<2048x8xf32, #tpu.memory_space<vmem>> -> memref<128x8xf32, #tpu.memory_space<vmem>>
        %dma_start3A_48 = arith.constant 0 : i32
        %dma_start3A_49 = tpu.memref_slice %arg7[%run_scoped3A_44, %dma_start3A_48] : memref<16x128xi32, #tpu.memory_space<vmem>> -> memref<1x128xi32, #tpu.memory_space<vmem>>
        %dma_start3A_50 = tpu.memref_squeeze %dma_start3A_49 : memref<1x128xi32, #tpu.memory_space<vmem>> -> memref<128xi32, #tpu.memory_space<vmem>>
        %dma_start3A_51 = arith.constant 0 : i32
        %dma_start3A_52 = arith.constant 0 : i32
        %dma_start3A_53 = tpu.memref_slice %arg6[%dma_start3A_51, %dma_start3A_52] : memref<100096x8xf32, #tpu.memory_space<vmem_shared>> -> memref<100096x8xf32, #tpu.memory_space<vmem_shared>>
        tpu.enqueue_indirect_dma source(%dma_start3A_47 : memref<128x8xf32, #tpu.memory_space<vmem>>) target(%dma_start3A_53 : memref<100096x8xf32, #tpu.memory_space<vmem_shared>>) offsets(%dma_start3A_50 : memref<128xi32, #tpu.memory_space<vmem>>) semaphore(%run_scoped3A_45 : memref<!tpu.dma_semaphore, #tpu.memory_space<semaphore_mem>>) {add = true}
        %dma_wait3A = arith.constant 1920 : i32
        %dma_wait3A_54 = arith.constant 0 : i32
        %dma_wait3A_55 = tpu.memref_slice %arg8[%dma_wait3A, %dma_wait3A_54] : memref<2048x8xf32, #tpu.memory_space<vmem>> -> memref<128x8xf32, #tpu.memory_space<vmem>>
        %dma_wait3A_56 = arith.constant 0 : i32
        %dma_wait3A_57 = tpu.memref_slice %arg7[%run_scoped3A_44, %dma_wait3A_56] : memref<16x128xi32, #tpu.memory_space<vmem>> -> memref<1x128xi32, #tpu.memory_space<vmem>>
        %dma_wait3A_58 = tpu.memref_squeeze %dma_wait3A_57 : memref<1x128xi32, #tpu.memory_space<vmem>> -> memref<128xi32, #tpu.memory_space<vmem>>
        %dma_wait3A_59 = arith.constant 0 : i32
        %dma_wait3A_60 = arith.constant 0 : i32
        %dma_wait3A_61 = tpu.memref_slice %arg6[%dma_wait3A_59, %dma_wait3A_60] : memref<100096x8xf32, #tpu.memory_space<vmem_shared>> -> memref<100096x8xf32, #tpu.memory_space<vmem_shared>>
        tpu.wait_indirect_dma semaphore(%run_scoped3A_45 : memref<!tpu.dma_semaphore, #tpu.memory_space<semaphore_mem>>) src(%dma_wait3A_55 : memref<128x8xf32, #tpu.memory_space<vmem>>) dst(%dma_wait3A_61 : memref<100096x8xf32, #tpu.memory_space<vmem_shared>>)
        tpu.yield
      }) : () -> ()
    }
    %scan3A_11 = arith.constant 97 : i32
    %lt3A = arith.constant 16 : i32
    %lt3A_12 = arith.cmpi slt, %add3A, %lt3A : i32
    %jit3A = arith.constant 11 : i32
    %jit3A_13 = arith.constant 10 : i32
    %select_n3A = arith.select %lt3A_12, %jit3A, %jit3A_13 : i32
    %while3A = arith.constant 0 : i32
    %while3A_14 = arith.constant 0 : i32
    %while3A_15 = arith.subi %select_n3A, %while3A_14 : i32
    %while3A_16 = arith.addi %while3A_14, %while3A_15 : i32
    %while3A_17 = arith.constant 1 : i32
    %while3A_18 = arith.divsi %while3A_15, %while3A_17 : i32
    %while3A_19 = arith.muli %while3A_18, %while3A_17 : i32
    %while3A_20 = arith.addi %while3A_14, %while3A_19 : i32
    %while3A_21 = arith.constant 1 : i32
    scf.for %while3A_24 = %while3A_14 to %while3A_20 step %while3A_21  : i32 {
      %add3A_25 = arith.constant 1552 : i32
      %add3A_26 = arith.addi %add3A_6, %add3A_25 : i32
      %add3A_27 = arith.addi %add3A_26, %while3A_24 : i32
      "tpu.region"() ({
        %run_scoped3A_30 = tpu.sem_alloc : memref<!tpu.dma_semaphore, #tpu.memory_space<semaphore_mem>>
        %dma_start3A = arith.constant 0 : i32
        %dma_start3A_31 = arith.constant 0 : i32
        %dma_start3A_32 = tpu.memref_slice %arg7[%dma_start3A, %dma_start3A_31] : memref<16x128xi32, #tpu.memory_space<vmem>> -> memref<1x128xi32, #tpu.memory_space<vmem>>
        %dma_start3A_33 = arith.constant 0 : i32
        %dma_start3A_34 = tpu.memref_slice %arg2[%add3A_27, %dma_start3A_33] : memref<50000x128xi32, #tpu.memory_space<hbm>> -> memref<1x128xi32, #tpu.memory_space<hbm>>
        %dma_start3A_35 = arith.constant 0 : i32
        %dma_start3A_36 = arith.constant 0 : i32
        %dma_start3A_37 = tpu.memref_slice %arg7[%dma_start3A_35, %dma_start3A_36] : memref<16x128xi32, #tpu.memory_space<vmem>> -> memref<1x128xi32, #tpu.memory_space<vmem>>
        %dma_start3A_38 = arith.constant 0 : i32
        %dma_start3A_39 = tpu.memref_slice %arg2[%add3A_27, %dma_start3A_38] : memref<50000x128xi32, #tpu.memory_space<hbm>> -> memref<1x128xi32, #tpu.memory_space<hbm>>
        tpu.enqueue_dma source(%dma_start3A_39 : memref<1x128xi32, #tpu.memory_space<hbm>>) target(%dma_start3A_37 : memref<1x128xi32, #tpu.memory_space<vmem>>) target_semaphore(%run_scoped3A_30 : memref<!tpu.dma_semaphore, #tpu.memory_space<semaphore_mem>>)
        %dma_wait3A = arith.constant 0 : i32
        %dma_wait3A_40 = arith.constant 0 : i32
        %dma_wait3A_41 = tpu.memref_slice %arg7[%dma_wait3A, %dma_wait3A_40] : memref<16x128xi32, #tpu.memory_space<vmem>> -> memref<1x128xi32, #tpu.memory_space<vmem>>
        %dma_wait3A_42 = arith.constant 0 : i32
        %dma_wait3A_43 = tpu.memref_slice %arg2[%add3A_27, %dma_wait3A_42] : memref<50000x128xi32, #tpu.memory_space<hbm>> -> memref<1x128xi32, #tpu.memory_space<hbm>>
        %dma_wait3A_44 = arith.constant 0 : i32
        %dma_wait3A_45 = arith.constant 0 : i32
        %dma_wait3A_46 = tpu.memref_slice %arg7[%dma_wait3A_44, %dma_wait3A_45] : memref<16x128xi32, #tpu.memory_space<vmem>> -> memref<1x128xi32, #tpu.memory_space<vmem>>
        %dma_wait3A_47 = arith.constant 0 : i32
        %dma_wait3A_48 = tpu.memref_slice %arg2[%add3A_27, %dma_wait3A_47] : memref<50000x128xi32, #tpu.memory_space<hbm>> -> memref<1x128xi32, #tpu.memory_space<hbm>>
        tpu.wait_dma2 semaphore(%run_scoped3A_30 : memref<!tpu.dma_semaphore, #tpu.memory_space<semaphore_mem>>) src(%dma_wait3A_48 : memref<1x128xi32, #tpu.memory_space<hbm>>) dst(%dma_wait3A_46 : memref<1x128xi32, #tpu.memory_space<vmem>>)
        tpu.yield
      }) : () -> ()
      %mul3A_28 = arith.constant 128 : i32
      %mul3A_29 = arith.muli %add3A_27, %mul3A_28 : i32
      "tpu.region"() ({
        %run_scoped3A_30 = tpu.sem_alloc : memref<!tpu.dma_semaphore, #tpu.memory_space<semaphore_mem>>
        %dma_start3A = arith.constant 0 : i32
        %dma_start3A_31 = arith.constant 0 : i32
        %dma_start3A_32 = tpu.memref_slice %arg8[%dma_start3A, %dma_start3A_31] : memref<2048x8xf32, #tpu.memory_space<vmem>> -> memref<128x8xf32, #tpu.memory_space<vmem>>
        %dma_start3A_33 = arith.constant 0 : i32
        %dma_start3A_34 = tpu.memref_slice %arg3[%mul3A_29, %dma_start3A_33] : memref<6400000x8xf32, #tpu.memory_space<hbm>> -> memref<128x8xf32, #tpu.memory_space<hbm>>
        %dma_start3A_35 = arith.constant 0 : i32
        %dma_start3A_36 = arith.constant 0 : i32
        %dma_start3A_37 = tpu.memref_slice %arg8[%dma_start3A_35, %dma_start3A_36] : memref<2048x8xf32, #tpu.memory_space<vmem>> -> memref<128x8xf32, #tpu.memory_space<vmem>>
        %dma_start3A_38 = arith.constant 0 : i32
        %dma_start3A_39 = tpu.memref_slice %arg3[%mul3A_29, %dma_start3A_38] : memref<6400000x8xf32, #tpu.memory_space<hbm>> -> memref<128x8xf32, #tpu.memory_space<hbm>>
        tpu.enqueue_dma source(%dma_start3A_39 : memref<128x8xf32, #tpu.memory_space<hbm>>) target(%dma_start3A_37 : memref<128x8xf32, #tpu.memory_space<vmem>>) target_semaphore(%run_scoped3A_30 : memref<!tpu.dma_semaphore, #tpu.memory_space<semaphore_mem>>)
        %dma_wait3A = arith.constant 0 : i32
        %dma_wait3A_40 = arith.constant 0 : i32
        %dma_wait3A_41 = tpu.memref_slice %arg8[%dma_wait3A, %dma_wait3A_40] : memref<2048x8xf32, #tpu.memory_space<vmem>> -> memref<128x8xf32, #tpu.memory_space<vmem>>
        %dma_wait3A_42 = arith.constant 0 : i32
        %dma_wait3A_43 = tpu.memref_slice %arg3[%mul3A_29, %dma_wait3A_42] : memref<6400000x8xf32, #tpu.memory_space<hbm>> -> memref<128x8xf32, #tpu.memory_space<hbm>>
        %dma_wait3A_44 = arith.constant 0 : i32
        %dma_wait3A_45 = arith.constant 0 : i32
        %dma_wait3A_46 = tpu.memref_slice %arg8[%dma_wait3A_44, %dma_wait3A_45] : memref<2048x8xf32, #tpu.memory_space<vmem>> -> memref<128x8xf32, #tpu.memory_space<vmem>>
        %dma_wait3A_47 = arith.constant 0 : i32
        %dma_wait3A_48 = tpu.memref_slice %arg3[%mul3A_29, %dma_wait3A_47] : memref<6400000x8xf32, #tpu.memory_space<hbm>> -> memref<128x8xf32, #tpu.memory_space<hbm>>
        tpu.wait_dma2 semaphore(%run_scoped3A_30 : memref<!tpu.dma_semaphore, #tpu.memory_space<semaphore_mem>>) src(%dma_wait3A_48 : memref<128x8xf32, #tpu.memory_space<hbm>>) dst(%dma_wait3A_46 : memref<128x8xf32, #tpu.memory_space<vmem>>)
        tpu.yield
      }) : () -> ()
      %run_scoped3A = arith.constant 0 : i32
      "tpu.region"() ({
        %run_scoped3A_30 = tpu.sem_alloc : memref<!tpu.dma_semaphore, #tpu.memory_space<semaphore_mem>>
        %dma_start3A = arith.constant 0 : i32
        %dma_start3A_31 = arith.constant 0 : i32
        %dma_start3A_32 = tpu.memref_slice %arg8[%dma_start3A, %dma_start3A_31] : memref<2048x8xf32, #tpu.memory_space<vmem>> -> memref<128x8xf32, #tpu.memory_space<vmem>>
        %dma_start3A_33 = arith.constant 0 : i32
        %dma_start3A_34 = tpu.memref_slice %arg7[%run_scoped3A, %dma_start3A_33] : memref<16x128xi32, #tpu.memory_space<vmem>> -> memref<1x128xi32, #tpu.memory_space<vmem>>
        %dma_start3A_35 = tpu.memref_squeeze %dma_start3A_34 : memref<1x128xi32, #tpu.memory_space<vmem>> -> memref<128xi32, #tpu.memory_space<vmem>>
        %dma_start3A_36 = arith.constant 0 : i32
        %dma_start3A_37 = arith.constant 0 : i32
        %dma_start3A_38 = tpu.memref_slice %arg6[%dma_start3A_36, %dma_start3A_37] : memref<100096x8xf32, #tpu.memory_space<vmem_shared>> -> memref<100096x8xf32, #tpu.memory_space<vmem_shared>>
        tpu.enqueue_indirect_dma source(%dma_start3A_32 : memref<128x8xf32, #tpu.memory_space<vmem>>) target(%dma_start3A_38 : memref<100096x8xf32, #tpu.memory_space<vmem_shared>>) offsets(%dma_start3A_35 : memref<128xi32, #tpu.memory_space<vmem>>) semaphore(%run_scoped3A_30 : memref<!tpu.dma_semaphore, #tpu.memory_space<semaphore_mem>>) {add = true}
        %dma_wait3A = arith.constant 0 : i32
        %dma_wait3A_39 = arith.constant 0 : i32
        %dma_wait3A_40 = tpu.memref_slice %arg8[%dma_wait3A, %dma_wait3A_39] : memref<2048x8xf32, #tpu.memory_space<vmem>> -> memref<128x8xf32, #tpu.memory_space<vmem>>
        %dma_wait3A_41 = arith.constant 0 : i32
        %dma_wait3A_42 = tpu.memref_slice %arg7[%run_scoped3A, %dma_wait3A_41] : memref<16x128xi32, #tpu.memory_space<vmem>> -> memref<1x128xi32, #tpu.memory_space<vmem>>
        %dma_wait3A_43 = tpu.memref_squeeze %dma_wait3A_42 : memref<1x128xi32, #tpu.memory_space<vmem>> -> memref<128xi32, #tpu.memory_space<vmem>>
        %dma_wait3A_44 = arith.constant 0 : i32
        %dma_wait3A_45 = arith.constant 0 : i32
        %dma_wait3A_46 = tpu.memref_slice %arg6[%dma_wait3A_44, %dma_wait3A_45] : memref<100096x8xf32, #tpu.memory_space<vmem_shared>> -> memref<100096x8xf32, #tpu.memory_space<vmem_shared>>
        tpu.wait_indirect_dma semaphore(%run_scoped3A_30 : memref<!tpu.dma_semaphore, #tpu.memory_space<semaphore_mem>>) src(%dma_wait3A_40 : memref<128x8xf32, #tpu.memory_space<vmem>>) dst(%dma_wait3A_46 : memref<100096x8xf32, #tpu.memory_space<vmem_shared>>)
        tpu.yield
      }) : () -> ()
    }
    %while3A_22 = arith.constant 1 : i32
    scf.for %while3A_24 = %while3A_20 to %while3A_16 step %while3A_22  : i32 {
      %add3A_25 = arith.constant 1552 : i32
      %add3A_26 = arith.addi %add3A_6, %add3A_25 : i32
      %add3A_27 = arith.addi %add3A_26, %while3A_24 : i32
      "tpu.region"() ({
        %run_scoped3A_30 = tpu.sem_alloc : memref<!tpu.dma_semaphore, #tpu.memory_space<semaphore_mem>>
        %dma_start3A = arith.constant 0 : i32
        %dma_start3A_31 = arith.constant 0 : i32
        %dma_start3A_32 = tpu.memref_slice %arg7[%dma_start3A, %dma_start3A_31] : memref<16x128xi32, #tpu.memory_space<vmem>> -> memref<1x128xi32, #tpu.memory_space<vmem>>
        %dma_start3A_33 = arith.constant 0 : i32
        %dma_start3A_34 = tpu.memref_slice %arg2[%add3A_27, %dma_start3A_33] : memref<50000x128xi32, #tpu.memory_space<hbm>> -> memref<1x128xi32, #tpu.memory_space<hbm>>
        %dma_start3A_35 = arith.constant 0 : i32
        %dma_start3A_36 = arith.constant 0 : i32
        %dma_start3A_37 = tpu.memref_slice %arg7[%dma_start3A_35, %dma_start3A_36] : memref<16x128xi32, #tpu.memory_space<vmem>> -> memref<1x128xi32, #tpu.memory_space<vmem>>
        %dma_start3A_38 = arith.constant 0 : i32
        %dma_start3A_39 = tpu.memref_slice %arg2[%add3A_27, %dma_start3A_38] : memref<50000x128xi32, #tpu.memory_space<hbm>> -> memref<1x128xi32, #tpu.memory_space<hbm>>
        tpu.enqueue_dma source(%dma_start3A_39 : memref<1x128xi32, #tpu.memory_space<hbm>>) target(%dma_start3A_37 : memref<1x128xi32, #tpu.memory_space<vmem>>) target_semaphore(%run_scoped3A_30 : memref<!tpu.dma_semaphore, #tpu.memory_space<semaphore_mem>>)
        %dma_wait3A = arith.constant 0 : i32
        %dma_wait3A_40 = arith.constant 0 : i32
        %dma_wait3A_41 = tpu.memref_slice %arg7[%dma_wait3A, %dma_wait3A_40] : memref<16x128xi32, #tpu.memory_space<vmem>> -> memref<1x128xi32, #tpu.memory_space<vmem>>
        %dma_wait3A_42 = arith.constant 0 : i32
        %dma_wait3A_43 = tpu.memref_slice %arg2[%add3A_27, %dma_wait3A_42] : memref<50000x128xi32, #tpu.memory_space<hbm>> -> memref<1x128xi32, #tpu.memory_space<hbm>>
        %dma_wait3A_44 = arith.constant 0 : i32
        %dma_wait3A_45 = arith.constant 0 : i32
        %dma_wait3A_46 = tpu.memref_slice %arg7[%dma_wait3A_44, %dma_wait3A_45] : memref<16x128xi32, #tpu.memory_space<vmem>> -> memref<1x128xi32, #tpu.memory_space<vmem>>
        %dma_wait3A_47 = arith.constant 0 : i32
        %dma_wait3A_48 = tpu.memref_slice %arg2[%add3A_27, %dma_wait3A_47] : memref<50000x128xi32, #tpu.memory_space<hbm>> -> memref<1x128xi32, #tpu.memory_space<hbm>>
        tpu.wait_dma2 semaphore(%run_scoped3A_30 : memref<!tpu.dma_semaphore, #tpu.memory_space<semaphore_mem>>) src(%dma_wait3A_48 : memref<1x128xi32, #tpu.memory_space<hbm>>) dst(%dma_wait3A_46 : memref<1x128xi32, #tpu.memory_space<vmem>>)
        tpu.yield
      }) : () -> ()
      %mul3A_28 = arith.constant 128 : i32
      %mul3A_29 = arith.muli %add3A_27, %mul3A_28 : i32
      "tpu.region"() ({
        %run_scoped3A_30 = tpu.sem_alloc : memref<!tpu.dma_semaphore, #tpu.memory_space<semaphore_mem>>
        %dma_start3A = arith.constant 0 : i32
        %dma_start3A_31 = arith.constant 0 : i32
        %dma_start3A_32 = tpu.memref_slice %arg8[%dma_start3A, %dma_start3A_31] : memref<2048x8xf32, #tpu.memory_space<vmem>> -> memref<128x8xf32, #tpu.memory_space<vmem>>
        %dma_start3A_33 = arith.constant 0 : i32
        %dma_start3A_34 = tpu.memref_slice %arg3[%mul3A_29, %dma_start3A_33] : memref<6400000x8xf32, #tpu.memory_space<hbm>> -> memref<128x8xf32, #tpu.memory_space<hbm>>
        %dma_start3A_35 = arith.constant 0 : i32
        %dma_start3A_36 = arith.constant 0 : i32
        %dma_start3A_37 = tpu.memref_slice %arg8[%dma_start3A_35, %dma_start3A_36] : memref<2048x8xf32, #tpu.memory_space<vmem>> -> memref<128x8xf32, #tpu.memory_space<vmem>>
        %dma_start3A_38 = arith.constant 0 : i32
        %dma_start3A_39 = tpu.memref_slice %arg3[%mul3A_29, %dma_start3A_38] : memref<6400000x8xf32, #tpu.memory_space<hbm>> -> memref<128x8xf32, #tpu.memory_space<hbm>>
        tpu.enqueue_dma source(%dma_start3A_39 : memref<128x8xf32, #tpu.memory_space<hbm>>) target(%dma_start3A_37 : memref<128x8xf32, #tpu.memory_space<vmem>>) target_semaphore(%run_scoped3A_30 : memref<!tpu.dma_semaphore, #tpu.memory_space<semaphore_mem>>)
        %dma_wait3A = arith.constant 0 : i32
        %dma_wait3A_40 = arith.constant 0 : i32
        %dma_wait3A_41 = tpu.memref_slice %arg8[%dma_wait3A, %dma_wait3A_40] : memref<2048x8xf32, #tpu.memory_space<vmem>> -> memref<128x8xf32, #tpu.memory_space<vmem>>
        %dma_wait3A_42 = arith.constant 0 : i32
        %dma_wait3A_43 = tpu.memref_slice %arg3[%mul3A_29, %dma_wait3A_42] : memref<6400000x8xf32, #tpu.memory_space<hbm>> -> memref<128x8xf32, #tpu.memory_space<hbm>>
        %dma_wait3A_44 = arith.constant 0 : i32
        %dma_wait3A_45 = arith.constant 0 : i32
        %dma_wait3A_46 = tpu.memref_slice %arg8[%dma_wait3A_44, %dma_wait3A_45] : memref<2048x8xf32, #tpu.memory_space<vmem>> -> memref<128x8xf32, #tpu.memory_space<vmem>>
        %dma_wait3A_47 = arith.constant 0 : i32
        %dma_wait3A_48 = tpu.memref_slice %arg3[%mul3A_29, %dma_wait3A_47] : memref<6400000x8xf32, #tpu.memory_space<hbm>> -> memref<128x8xf32, #tpu.memory_space<hbm>>
        tpu.wait_dma2 semaphore(%run_scoped3A_30 : memref<!tpu.dma_semaphore, #tpu.memory_space<semaphore_mem>>) src(%dma_wait3A_48 : memref<128x8xf32, #tpu.memory_space<hbm>>) dst(%dma_wait3A_46 : memref<128x8xf32, #tpu.memory_space<vmem>>)
        tpu.yield
      }) : () -> ()
      %run_scoped3A = arith.constant 0 : i32
      "tpu.region"() ({
        %run_scoped3A_30 = tpu.sem_alloc : memref<!tpu.dma_semaphore, #tpu.memory_space<semaphore_mem>>
        %dma_start3A = arith.constant 0 : i32
        %dma_start3A_31 = arith.constant 0 : i32
        %dma_start3A_32 = tpu.memref_slice %arg8[%dma_start3A, %dma_start3A_31] : memref<2048x8xf32, #tpu.memory_space<vmem>> -> memref<128x8xf32, #tpu.memory_space<vmem>>
        %dma_start3A_33 = arith.constant 0 : i32
        %dma_start3A_34 = tpu.memref_slice %arg7[%run_scoped3A, %dma_start3A_33] : memref<16x128xi32, #tpu.memory_space<vmem>> -> memref<1x128xi32, #tpu.memory_space<vmem>>
        %dma_start3A_35 = tpu.memref_squeeze %dma_start3A_34 : memref<1x128xi32, #tpu.memory_space<vmem>> -> memref<128xi32, #tpu.memory_space<vmem>>
        %dma_start3A_36 = arith.constant 0 : i32
        %dma_start3A_37 = arith.constant 0 : i32
        %dma_start3A_38 = tpu.memref_slice %arg6[%dma_start3A_36, %dma_start3A_37] : memref<100096x8xf32, #tpu.memory_space<vmem_shared>> -> memref<100096x8xf32, #tpu.memory_space<vmem_shared>>
        tpu.enqueue_indirect_dma source(%dma_start3A_32 : memref<128x8xf32, #tpu.memory_space<vmem>>) target(%dma_start3A_38 : memref<100096x8xf32, #tpu.memory_space<vmem_shared>>) offsets(%dma_start3A_35 : memref<128xi32, #tpu.memory_space<vmem>>) semaphore(%run_scoped3A_30 : memref<!tpu.dma_semaphore, #tpu.memory_space<semaphore_mem>>) {add = true}
        %dma_wait3A = arith.constant 0 : i32
        %dma_wait3A_39 = arith.constant 0 : i32
        %dma_wait3A_40 = tpu.memref_slice %arg8[%dma_wait3A, %dma_wait3A_39] : memref<2048x8xf32, #tpu.memory_space<vmem>> -> memref<128x8xf32, #tpu.memory_space<vmem>>
        %dma_wait3A_41 = arith.constant 0 : i32
        %dma_wait3A_42 = tpu.memref_slice %arg7[%run_scoped3A, %dma_wait3A_41] : memref<16x128xi32, #tpu.memory_space<vmem>> -> memref<1x128xi32, #tpu.memory_space<vmem>>
        %dma_wait3A_43 = tpu.memref_squeeze %dma_wait3A_42 : memref<1x128xi32, #tpu.memory_space<vmem>> -> memref<128xi32, #tpu.memory_space<vmem>>
        %dma_wait3A_44 = arith.constant 0 : i32
        %dma_wait3A_45 = arith.constant 0 : i32
        %dma_wait3A_46 = tpu.memref_slice %arg6[%dma_wait3A_44, %dma_wait3A_45] : memref<100096x8xf32, #tpu.memory_space<vmem_shared>> -> memref<100096x8xf32, #tpu.memory_space<vmem_shared>>
        tpu.wait_indirect_dma semaphore(%run_scoped3A_30 : memref<!tpu.dma_semaphore, #tpu.memory_space<semaphore_mem>>) src(%dma_wait3A_40 : memref<128x8xf32, #tpu.memory_space<vmem>>) dst(%dma_wait3A_46 : memref<100096x8xf32, #tpu.memory_space<vmem_shared>>)
        tpu.yield
      }) : () -> ()
    }
    %barrier3A_23 = arith.constant 0 : index
    tpu.barrier barrier_id(%barrier3A_23)
    "tpu.region"() ({
      %run_scoped3A = tpu.sem_alloc : memref<!tpu.dma_semaphore, #tpu.memory_space<semaphore_mem>>
      %dma_start3A = arith.constant 0 : i32
      %dma_start3A_24 = tpu.memref_slice %arg5[%arg0, %mul3A_2, %dma_start3A] : memref<2x100096x8xf32, #tpu.memory_space<hbm>> -> memref<1x6256x8xf32, #tpu.memory_space<hbm>>
      %dma_start3A_25 = tpu.memref_squeeze %dma_start3A_24 : memref<1x6256x8xf32, #tpu.memory_space<hbm>> -> memref<6256x8xf32, #tpu.memory_space<hbm>>
      %dma_start3A_26 = arith.constant 0 : i32
      %dma_start3A_27 = tpu.memref_slice %arg6[%mul3A_2, %dma_start3A_26] : memref<100096x8xf32, #tpu.memory_space<vmem_shared>> -> memref<6256x8xf32, #tpu.memory_space<vmem_shared>>
      tpu.enqueue_dma source(%dma_start3A_27 : memref<6256x8xf32, #tpu.memory_space<vmem_shared>>) target(%dma_start3A_25 : memref<6256x8xf32, #tpu.memory_space<hbm>>) target_semaphore(%run_scoped3A : memref<!tpu.dma_semaphore, #tpu.memory_space<semaphore_mem>>)
      %dma_wait3A = arith.constant 0 : i32
      %dma_wait3A_28 = tpu.memref_slice %arg5[%arg0, %mul3A_2, %dma_wait3A] : memref<2x100096x8xf32, #tpu.memory_space<hbm>> -> memref<1x6256x8xf32, #tpu.memory_space<hbm>>
      %dma_wait3A_29 = tpu.memref_squeeze %dma_wait3A_28 : memref<1x6256x8xf32, #tpu.memory_space<hbm>> -> memref<6256x8xf32, #tpu.memory_space<hbm>>
      %dma_wait3A_30 = arith.constant 0 : i32
      %dma_wait3A_31 = tpu.memref_slice %arg6[%mul3A_2, %dma_wait3A_30] : memref<100096x8xf32, #tpu.memory_space<vmem_shared>> -> memref<6256x8xf32, #tpu.memory_space<vmem_shared>>
      tpu.wait_dma2 semaphore(%run_scoped3A : memref<!tpu.dma_semaphore, #tpu.memory_space<semaphore_mem>>) src(%dma_wait3A_31 : memref<6256x8xf32, #tpu.memory_space<vmem_shared>>) dst(%dma_wait3A_29 : memref<6256x8xf32, #tpu.memory_space<hbm>>)
      tpu.yield
    }) : () -> ()
    return
  }
}

module attributes {stable_mosaic.version = 14 : i64} {
  func.func @_mlp_body(%arg0: i32, %arg1: memref<2000x128xf32, #tpu.memory_space<vmem>>, %arg2: memref<128x384xf32, #tpu.memory_space<vmem>>, %arg3: memref<1x384xf32, #tpu.memory_space<vmem>>, %arg4: memref<384x3xf32, #tpu.memory_space<vmem>>, %arg5: memref<1x3xf32, #tpu.memory_space<vmem>>, %arg6: memref<2000x3xf32, #tpu.memory_space<vmem>>) attributes {dimension_semantics = [#tpu.dimension_semantics<arbitrary>], iteration_bounds = array<i64: 50>, scalar_prefetch = 0 : i64, scratch_operands = 0 : i64, tpu.core_type = #tpu.core_type<tc>, window_params = [{transform_indices = @transform_0, window_bounds = array<i64: 2000, 128>}, {pipeline_mode = #tpu.pipeline_mode<synchronous>, transform_indices = @transform_1, window_bounds = array<i64: 128, 384>}, {pipeline_mode = #tpu.pipeline_mode<synchronous>, transform_indices = @transform_2, window_bounds = array<i64: 1, 384>}, {pipeline_mode = #tpu.pipeline_mode<synchronous>, transform_indices = @transform_3, window_bounds = array<i64: 384, 3>}, {pipeline_mode = #tpu.pipeline_mode<synchronous>, transform_indices = @transform_4, window_bounds = array<i64: 1, 3>}, {transform_indices = @transform_5, window_bounds = array<i64: 2000, 3>}]} {
    %get3A = arith.constant 0 : index
    %get3A_0 = arith.constant 0 : index
    %get3A_1 = vector.load %arg1[%get3A, %get3A_0] : memref<2000x128xf32, #tpu.memory_space<vmem>>, vector<2000x128xf32>
    %get3A_2 = arith.constant 0 : index
    %get3A_3 = arith.constant 0 : index
    %get3A_4 = vector.load %arg2[%get3A_2, %get3A_3] : memref<128x384xf32, #tpu.memory_space<vmem>>, vector<128x384xf32>
    %dot_general3A = arith.constant dense<0.000000e+00> : vector<2000x384xf32>
    %dot_general3A_5 = tpu.matmul %get3A_1, %get3A_4, %dot_general3A {dimension_numbers = #tpu.dot_dimension_numbers<[1], [0], [0], [1], [0, 0, 1, 1], [], []>, transpose_lhs_hint = false} : vector<2000x128xf32>, vector<128x384xf32>, vector<2000x384xf32> -> vector<2000x384xf32>
    %get3A_6 = arith.constant 0 : index
    %get3A_7 = arith.constant 0 : index
    %get3A_8 = vector.load %arg3[%get3A_6, %get3A_7] : memref<1x384xf32, #tpu.memory_space<vmem>>, vector<1x384xf32>
    %add3A = vector.broadcast %get3A_8 : vector<1x384xf32> to vector<2000x384xf32>
    %add3A_9 = arith.addf %dot_general3A_5, %add3A : vector<2000x384xf32>
    %max3A = arith.constant 0.000000e+00 : f32
    %max3A_10 = vector.broadcast %max3A : f32 to vector<2000x384xf32>
    %max3A_11 = arith.maximumf %add3A_9, %max3A_10 : vector<2000x384xf32>
    %get3A_12 = arith.constant 0 : index
    %get3A_13 = arith.constant 0 : index
    %get3A_14 = vector.load %arg4[%get3A_12, %get3A_13] : memref<384x3xf32, #tpu.memory_space<vmem>>, vector<384x3xf32>
    %dot_general3A_15 = arith.constant dense<0.000000e+00> : vector<2000x3xf32>
    %dot_general3A_16 = tpu.matmul %max3A_11, %get3A_14, %dot_general3A_15 {dimension_numbers = #tpu.dot_dimension_numbers<[1], [0], [0], [1], [0, 0, 1, 1], [], []>, transpose_lhs_hint = false} : vector<2000x384xf32>, vector<384x3xf32>, vector<2000x3xf32> -> vector<2000x3xf32>
    %get3A_17 = arith.constant 0 : index
    %get3A_18 = arith.constant 0 : index
    %get3A_19 = vector.load %arg5[%get3A_17, %get3A_18] : memref<1x3xf32, #tpu.memory_space<vmem>>, vector<1x3xf32>
    %add3A_20 = vector.broadcast %get3A_19 : vector<1x3xf32> to vector<2000x3xf32>
    %add3A_21 = arith.addf %dot_general3A_16, %add3A_20 : vector<2000x3xf32>
    %swap3A = arith.constant 0 : index
    %swap3A_22 = arith.constant 0 : index
    %swap3A_23 = vector.load %arg6[%swap3A, %swap3A_22] : memref<2000x3xf32, #tpu.memory_space<vmem>>, vector<2000x3xf32>
    tpu.vector_store %arg6[%swap3A, %swap3A_22], %add3A_21 {strides = array<i32>} : memref<2000x3xf32, #tpu.memory_space<vmem>>, vector<2000x3xf32>,
    return
  }
  func.func @transform_0(%arg0: i32) -> (i32, i32) {
    %c0_i32 = arith.constant 0 : i32
    %c0_i32_0 = arith.constant 0 : i32
    return %arg0, %c0_i32 : i32, i32
  }
  func.func @transform_1(%arg0: i32) -> (i32, i32) {
    %c0_i32 = arith.constant 0 : i32
    %c0_i32_0 = arith.constant 0 : i32
    %c0_i32_1 = arith.constant 0 : i32
    return %c0_i32, %c0_i32_0 : i32, i32
  }
  func.func @transform_2(%arg0: i32) -> (i32, i32) {
    %c0_i32 = arith.constant 0 : i32
    %c0_i32_0 = arith.constant 0 : i32
    %c0_i32_1 = arith.constant 0 : i32
    return %c0_i32, %c0_i32_0 : i32, i32
  }
  func.func @transform_3(%arg0: i32) -> (i32, i32) {
    %c0_i32 = arith.constant 0 : i32
    %c0_i32_0 = arith.constant 0 : i32
    %c0_i32_1 = arith.constant 0 : i32
    return %c0_i32, %c0_i32_0 : i32, i32
  }
  func.func @transform_4(%arg0: i32) -> (i32, i32) {
    %c0_i32 = arith.constant 0 : i32
    %c0_i32_0 = arith.constant 0 : i32
    %c0_i32_1 = arith.constant 0 : i32
    return %c0_i32, %c0_i32_0 : i32, i32
  }
  func.func @transform_5(%arg0: i32) -> (i32, i32) {
    %c0_i32 = arith.constant 0 : i32
    %c0_i32_0 = arith.constant 0 : i32
    return %arg0, %c0_i32 : i32, i32
  }
}

module attributes {stable_mosaic.version = 14 : i64} {
  func.func @_comb_body(%arg0: i32, %arg1: memref<2000x3xf32, #tpu.memory_space<vmem>>, %arg2: memref<2000x8xf32, #tpu.memory_space<vmem>>, %arg3: memref<2000x8xf32, #tpu.memory_space<vmem>>, %arg4: memref<2000x3xf32, #tpu.memory_space<vmem>>, %arg5: memref<2000x3xf32, #tpu.memory_space<vmem>>) attributes {dimension_semantics = [#tpu.dimension_semantics<arbitrary>], iteration_bounds = array<i64: 50>, scalar_prefetch = 0 : i64, scratch_operands = 0 : i64, tpu.core_type = #tpu.core_type<tc>, window_params = [{transform_indices = @transform_0, window_bounds = array<i64: 2000, 3>}, {transform_indices = @transform_1, window_bounds = array<i64: 2000, 8>}, {transform_indices = @transform_2, window_bounds = array<i64: 2000, 8>}, {transform_indices = @transform_3, window_bounds = array<i64: 2000, 3>}, {transform_indices = @transform_4, window_bounds = array<i64: 2000, 3>}]} {
    %get3A = arith.constant 0 : index
    %get3A_0 = arith.constant 0 : index
    %get3A_1 = vector.load %arg1[%get3A, %get3A_0] : memref<2000x3xf32, #tpu.memory_space<vmem>>, vector<2000x3xf32>
    %get3A_2 = arith.constant 0 : index
    %get3A_3 = arith.constant 0 : index
    %get3A_4 = vector.load %arg2[%get3A_2, %get3A_3] : memref<2000x8xf32, #tpu.memory_space<vmem>>, vector<2000x8xf32>
    %get3A_5 = arith.constant 0 : index
    %get3A_6 = arith.constant 0 : index
    %get3A_7 = vector.load %arg3[%get3A_5, %get3A_6] : memref<2000x8xf32, #tpu.memory_space<vmem>>, vector<2000x8xf32>
    %add3A = arith.addf %get3A_4, %get3A_7 : vector<2000x8xf32>
    %slice3A = vector.extract_strided_slice %get3A_1 {offsets = [0, 0], sizes = [2000, 1], strides = [1, 1]} : vector<2000x3xf32> to vector<2000x1xf32>
    %slice3A_8 = vector.extract_strided_slice %add3A {offsets = [0, 0], sizes = [2000, 3], strides = [1, 1]} : vector<2000x8xf32> to vector<2000x3xf32>
    %mul3A = vector.broadcast %slice3A : vector<2000x1xf32> to vector<2000x3xf32>
    %mul3A_9 = arith.mulf %mul3A, %slice3A_8 : vector<2000x3xf32>
    %slice3A_10 = vector.extract_strided_slice %get3A_1 {offsets = [0, 2], sizes = [2000, 1], strides = [1, 1]} : vector<2000x3xf32> to vector<2000x1xf32>
    %add3A_11 = vector.broadcast %slice3A_10 : vector<2000x1xf32> to vector<2000x3xf32>
    %add3A_12 = arith.addf %mul3A_9, %add3A_11 : vector<2000x3xf32>
    %swap3A = arith.constant 0 : index
    %swap3A_13 = arith.constant 0 : index
    %swap3A_14 = vector.load %arg4[%swap3A, %swap3A_13] : memref<2000x3xf32, #tpu.memory_space<vmem>>, vector<2000x3xf32>
    tpu.vector_store %arg4[%swap3A, %swap3A_13], %add3A_12 {strides = array<i32>} : memref<2000x3xf32, #tpu.memory_space<vmem>>, vector<2000x3xf32>,
    %slice3A_15 = vector.extract_strided_slice %get3A_1 {offsets = [0, 1], sizes = [2000, 1], strides = [1, 1]} : vector<2000x3xf32> to vector<2000x1xf32>
    %slice3A_16 = vector.extract_strided_slice %add3A {offsets = [0, 3], sizes = [2000, 3], strides = [1, 1]} : vector<2000x8xf32> to vector<2000x3xf32>
    %mul3A_17 = vector.broadcast %slice3A_15 : vector<2000x1xf32> to vector<2000x3xf32>
    %mul3A_18 = arith.mulf %mul3A_17, %slice3A_16 : vector<2000x3xf32>
    %swap3A_19 = arith.constant 0 : index
    %swap3A_20 = arith.constant 0 : index
    %swap3A_21 = vector.load %arg5[%swap3A_19, %swap3A_20] : memref<2000x3xf32, #tpu.memory_space<vmem>>, vector<2000x3xf32>
    tpu.vector_store %arg5[%swap3A_19, %swap3A_20], %mul3A_18 {strides = array<i32>} : memref<2000x3xf32, #tpu.memory_space<vmem>>, vector<2000x3xf32>,
    return
  }
  func.func @transform_0(%arg0: i32) -> (i32, i32) {
    %c0_i32 = arith.constant 0 : i32
    %c0_i32_0 = arith.constant 0 : i32
    return %arg0, %c0_i32 : i32, i32
  }
  func.func @transform_1(%arg0: i32) -> (i32, i32) {
    %c0_i32 = arith.constant 0 : i32
    %c0_i32_0 = arith.constant 0 : i32
    return %arg0, %c0_i32 : i32, i32
  }
  func.func @transform_2(%arg0: i32) -> (i32, i32) {
    %c0_i32 = arith.constant 0 : i32
    %c0_i32_0 = arith.constant 0 : i32
    return %arg0, %c0_i32 : i32, i32
  }
  func.func @transform_3(%arg0: i32) -> (i32, i32) {
    %c0_i32 = arith.constant 0 : i32
    %c0_i32_0 = arith.constant 0 : i32
    return %arg0, %c0_i32 : i32, i32
  }
  func.func @transform_4(%arg0: i32) -> (i32, i32) {
    %c0_i32 = arith.constant 0 : i32
    %c0_i32_0 = arith.constant 0 : i32
    return %arg0, %c0_i32 : i32, i32
  }
}

</mosaic_0001>

<sc_bundles>
// kernel: kernel.5.cloned.1.call-start
scs
__scs_entry_jumppad:
0x0: {  	(pc) =	sbr.rel $0x88, $3  }
0x1: {  	(tag) =	ssettag $0x0;
	lr =	simm.s32 $0x1  }
0x2: {  	[smem:$0x3F91] =	sst lr;
	_ =	strace $0xD0000000  }
0x3: {  	_ = 	snop  }
0x4: {  	_ = 	snop  }
0x5: {  	_ = 	snop  }
0x6: {  	_ = 	snop  }
0x7: {  	_ = 	snop  }
__scs_overlays_trampoline_lowered:
0x8: {  	[smem:$0x3FA0] =	sst s0  }
0x9: {  	[smem:$0x3FA1] =	sst s1  }
0xa: {  	[smem:$0x3FA2] =	sst s2  }
0xb: {  	[smem:$0x3FA3] =	sst s3  }
0xc: {  	[smem:$0x3FA4] =	sst s4  }
0xd: {  	[smem:$0x3FA5] =	sst s5  }
0xe: {  	[smem:$0x3FA6] =	sst s6  }
0xf: {  	[smem:$0x3FA7] =	sst s7  }
0x10: {  	[smem:$0x3FA8] =	sst s8  }
0x11: {  	[smem:$0x3FA9] =	sst s9;
	s0 =	simm.s32 @!p0 $0x0  }
0x12: {  	s1 =	sld [smem:$0x3F8F];
	s0 =	simm.s32 @p0 $0x1  }
0x13: {  	[smem:$0x3FAA] =	sst s0;
	s0 =	simm.s32 @!p1 $0x0  }
0x14: {  	s2 =	sld [smem:$0x3F8E];
	s0 =	simm.s32 @p1 $0x1  }
0x15: {  	[smem:$0x3FAB] =	sst s0;
	s0 =	simm.s32 @!p2 $0x0  }
0x16: {  	s3 =	sld [smem:$0x3FDB];
	s0 =	simm.s32 @p2 $0x1  }
0x17: {  	s4 =	simm.s32 $0x1BF5;
	[smem:$0x3FAD] =	sst s0  }
0x18: {  	s0 =	sld [smem:$0x3F90];
	_ =	swait.ge [sflag:s4], $0x0  }
0x19: {  	s7 =	sld [smem:$0x3F91]  }
0x1a: {  	s8 =	sadd.s32 $0xFFFFE003, lr  }
0x1b: {  	s9 =	sadd.s32 $0xFFFFFEF7, lr;
	s5 =	simm.s32 $0xFFFFFFFF;
	p2 =	slt.u32 s8, $0xFFFFF086  }
0x1c: {  	p1 =	slt.u32 s9, $0xF7A;
	s5 =	simm.s32 @!p2 $0x0  }
0x1d: {  	s5 =	simm.s32 @p1 $0x1;
	p0 =	seq.s32 s7, s2  }
0x1e: {  	s7 =	smul.u32 @!p0 $0xF7A, s2;
	p2 =	seq.s32 @!p0 s5, $0x0  }
0x1f: {  	s9 =	smul.u32 $0xF7A, s1;
	s8 =	simm.s32 @!p0 $0x1BF5;
	p2 =	por !p2, p0  }
0x20: {  	[sflag:s8] =	ssyncset.s32 @!p0 $0xFFFFF086;
	s6 =	sadd.s32 @!p0 s3, s7;
	s7 =	simm.s32 @!p0 $0x108  }
0x21: {  	s3 =	sadd.s32 s3, s9;
	s6 =	sadd.s32 @!p0 $0x88, s6;
	s7 =	simm.s32 @p2 $0x1082  }
0x22: {  	[simem:s7], [sflag:s8] =	dma.local @!p0 [hbm:s6], $0xF7A  }
0x23: {  	s9 =	sor.u32 $0xD0000000, s2;
	s6 =	simm.s32 $0x108;
	_ =	swait.ge @!p0 [sflag:s8], $0x0  }
0x24: {  	s3 =	sadd.s32 $0x88, s3;
	s6 =	simm.s32 @!p1 $0x1082;
	[sflag:s4] =	ssyncset.s32 $0xFFFFF086  }
0x25: {  	[simem:s6], [sflag:s4] =	dma.local [hbm:s3], $0xF7A  }
0x26: {  	[smem:$0x3F91] =	sst s1;
	(tag) =	ssettag s2;
	_ =	strace s9  }
0x27: {  	s1 =	sld [smem:$0x3FA1]  }
0x28: {  	s2 =	sld [smem:$0x3FA2]  }
0x29: {  	s4 =	sld [smem:$0x3FA4]  }
0x2a: {  	p0 =	seq.s32 s5, $0x0;
	s5 =	sld [smem:$0x3FA5]  }
0x2b: {  	s6 =	sld [smem:$0x3FA6]  }
0x2c: {  	s7 =	sld [smem:$0x3FA7]  }
0x2d: {  	s3 =	simm.s32 $0x108;
	s8 =	sld [smem:$0x3FA8]  }
0x2e: {  	s3 =	simm.s32 @!p0 $0x1082;
	s9 =	sld [smem:$0x3FA9]  }
0x2f: {  	lr =	sadd.s32 s0, s3;
	s0 =	sld [smem:$0x3FA0]  }
0x30: {  	s3 =	sld [smem:$0x3FA3]  }
0x31: {  	[smem:$0x3FAC] =	sst s10  }
0x32: {  	s10 =	sld [smem:$0x3FAA];
	_ =	sdelay $0x3  }
0x33: {  	p0 =	seq.s32 s10, $0x1;
	s10 =	sld [smem:$0x3FAC];
	_ =	sdelay $0x3  }
0x34: {  	[smem:$0x3FAC] =	sst s10  }
0x35: {  	s10 =	sld [smem:$0x3FAB];
	_ =	sdelay $0x3  }
0x36: {  	p1 =	seq.s32 s10, $0x1;
	s10 =	sld [smem:$0x3FAC];
	_ =	sdelay $0x3  }
0x37: {  	[smem:$0x3FAC] =	sst s10  }
0x38: {  	s10 =	sld [smem:$0x3FAD]  }
0x39: {  	_ = 	snop;
	(pc) =	sbr.ind lr, $3  }
0x3a: {  	_ = 	snop  }
0x3b: {  	_ = 	snop  }
0x3c: {  	p2 =	seq.s32 s10, $0x1;
	s10 =	sld [smem:$0x3FAC]  }
0x3d: {  	_ =	shalt  }
0x3e: {  	_ =	shalt  }
0x3f: {  	_ =	shalt  }
0x40: {  	_ =	shalt  }
0x41: {  	_ =	shalt  }
0x42: {  	_ =	shalt  }
0x43: {  	_ =	shalt  }
0x44: {  	_ =	shalt  }
0x45: {  	_ =	shalt  }
0x46: {  	_ =	shalt  }
0x47: {  	_ =	shalt  }
0x48: {  	_ =	shalt  }
0x49: {  	_ =	shalt  }
0x4a: {  	_ =	shalt  }
0x4b: {  	_ =	shalt  }
0x4c: {  	_ =	shalt  }
0x4d: {  	_ =	shalt  }
0x4e: {  	_ =	shalt  }
0x4f: {  	_ =	shalt  }
0x50: {  	_ =	shalt  }
0x51: {  	_ =	shalt  }
0x52: {  	_ =	shalt  }
0x53: {  	_ =	shalt  }
0x54: {  	_ =	shalt  }
0x55: {  	_ =	shalt  }
0x56: {  	_ =	shalt  }
0x57: {  	_ =	shalt  }
0x58: {  	_ =	shalt  }
0x59: {  	_ =	shalt  }
0x5a: {  	_ =	shalt  }
0x5b: {  	_ =	shalt  }
0x5c: {  	_ =	shalt  }
0x5d: {  	_ =	shalt  }
0x5e: {  	_ =	shalt  }
0x5f: {  	_ =	shalt  }
0x60: {  	_ =	shalt  }
0x61: {  	_ =	shalt  }
0x62: {  	_ =	shalt  }
0x63: {  	_ =	shalt  }
0x64: {  	_ =	shalt  }
0x65: {  	_ =	shalt  }
0x66: {  	_ =	shalt  }
0x67: {  	_ =	shalt  }
0x68: {  	_ =	shalt  }
0x69: {  	_ =	shalt  }
0x6a: {  	_ =	shalt  }
0x6b: {  	_ =	shalt  }
0x6c: {  	_ =	shalt  }
0x6d: {  	_ =	shalt  }
0x6e: {  	_ =	shalt  }
0x6f: {  	_ =	shalt  }
0x70: {  	_ =	shalt  }
0x71: {  	_ =	shalt  }
0x72: {  	_ =	shalt  }
0x73: {  	_ =	shalt  }
0x74: {  	_ =	shalt  }
0x75: {  	_ =	shalt  }
0x76: {  	_ =	shalt  }
0x77: {  	_ =	shalt  }
0x78: {  	_ =	shalt  }
0x79: {  	_ =	shalt  }
0x7a: {  	_ =	shalt  }
0x7b: {  	_ =	shalt  }
0x7c: {  	_ =	shalt  }
0x7d: {  	_ =	shalt  }
0x7e: {  	_ =	shalt  }
0x7f: {  	_ =	shalt  }
0x80: {  	_ =	shalt  }
0x81: {  	_ =	shalt  }
0x82: {  	_ =	shalt  }
0x83: {  	_ =	shalt  }
0x84: {  	_ =	shalt  }
0x85: {  	_ =	shalt  }
0x86: {  	_ =	shalt  }
0x87: {  	_ =	shalt  }
.Lfunc_end0:
.L_simem_size_0:
called_computation.1_lowered:
.L_overlay_start_0:
0x88: {  	s2 =	sld [smem:$0x3FD9]  }
0x89: {  	s3 =	sld [smem:$0x3FFE];
	_ =	sdelay $0x1  }
0x8a: {  	s1 =	srdreg.scid  }
0x8b: {  	s0 =	sand.u32 $0x1, s1  }
0x8c: {  	s16 =	sshll.u32 s0, $0xA;
	s2 =	sadd.s32 s3, s2  }
0x8d: {  	s2 =	sadd.s32 s2, s16  }
0x8e: {  	[smem:$0x3FB8] =	sst s2  }
0x8f: {  	_ = 	snop  }
0x90: {  	(tm) =	ssettm $0x1  }
0x91: {  	s17 =	sld [smem:$0x3FFB];
	_ =	sdelay $0x3  }
0x92: {  	_ =	strace s17  }
0x93: {  	s2 =	sld [smem:$0x3FFC];
	_ =	sdelay $0x3  }
0x94: {  	_ =	strace s2  }
0x95: {  	s2 =	sld [smem:$0x3FFD];
	_ =	sdelay $0x3  }
0x96: {  	_ =	strace s2  }
0x97: {  	_ =	strace $0x8FFFFFFF  }
0x98: {  	s18 =	sld [smem:$0x3FDB];
	_ =	sdelay $0x1  }
0x99: {  	s19 =	simm.s32 $_scs_section_size  }
0x9a: {  	s4 =	simm.s32 $_size__tile_overlayer_lowered;
	s5 =	simm.s32 $_tile_overlayer_lowered  }
0x9b: {  	s22 =	simm.s32 $0x1BFF;
	s21 =	sshll.u32 s5, $0x1;
	s2 =	sadd.s32 s19, s18  }
0x9c: {  	s6 =	simm.s32 $0x0;
	s20 =	sshll.u32 s4, $0x1;
	s4 =	sadd.s32 s21, s2  }
0x9d: {  	[timem:s6], [sflag:s22] =	dma.local [hbm:s4], s20  }
0x9e: {  	_ =	swait.ge [sflag:s22], s20  }
0x9f: {  	s3 =	ssub.s32 $0x0, s20;
	[sflag:s22] =	ssyncset.done $0x0  }
0xa0: {  	[sflag:s22] =	ssyncadd.s32 s3;
	_ =	sdelay $0x1  }
0xa1: {  	s23 =	simm.s32 $0x1B8B  }
0xa2: {  	_ =	swait.ge [sflag:s23], $0x1  }
0xa3: {  	[sflag:s23] =	ssyncset.done $0x0  }
0xa4: {  	s25 =	simm.s32 $0x1B8E;
	s24 =	sld [smem:$0x3FFE];
	[sflag:s23] =	ssyncadd.s32 $0xFFFFFFFF  }
0xa5: {  	s26 =	simm.s32 $execute0_lowered;
	[smem:$0x3FD2] =	sst s25  }
0xa6: {  	s4 =	sshll.u32 s26, $0x1;
	_ =	strace $0x80000049;
	[dreg:$0x1] =	wrdreg $0xFFFFFFFF  }
0xa7: {  	s28 =	simm.s32 $_size_execute0_lowered;
	s2 =	sadd.s32 s2, s4;
	[dreg:$0x0] =	wrdreg $0x0  }
0xa8: {  	s4 =	sshll.u32 s28, $0x1;
	[dreg:$0x2] =	wrdreg s2  }
0xa9: {  	[dreg:$0x3] =	wrdreg s4  }
0xaa: {  	[dreg:$0x4] =	wrdreg $0xC0  }
0xab: {  	_ =	task [dreg:s6], $0x5FFFF  }
0xac: {  	[dreg:$0x1] =	wrdreg $0xFFFFFFFF  }
0xad: {  	[dreg:$0x0] =	wrdreg $0x60  }
0xae: {  	[dreg:$0x2] =	wrdreg s24  }
0xaf: {  	[dreg:$0x3] =	wrdreg $0x0  }
0xb0: {  	[dreg:$0x4] =	wrdreg $0x9  }
0xb1: {  	_ =	task.clear_ibuf [dreg:s6], $0x5FFFF;
	_ =	strace $0x90000049  }
0xb2: {  	s29 =	simm.s32 $0x9;
	_ =	strace $0x8000004B  }
0xb3: {  	_ =	swait.ge [sflag:s29], $0x1  }
0xb4: {  	[sflag:s29] =	ssyncadd.s32 $0xFFFFFFFF  }
0xb5: {  	_ =	strace $0x9000004B  }
0xb6: {  	_ =	sfence  }
0xb7: {  	s30 =	sld [smem:$0x0];
	_ =	sdelay $0x2  }
0xb8: {  	s31 =	sshll.u32 s1, $0xD;
	s1 =	sshrl.u32 s1, $0x2  }
0xb9: {  	s3 =	sand.u32 $0x4000, s31;
	s1 =	sadd.s32 s1, s30  }
0xba: {  	s0 =	sor.u32 s3, s0;
	s1 =	sshll.u32 s1, $0x11  }
0xbb: {  	s0 =	sor.u32 s1, s0  }
0xbc: {  	s0 =	sadd.s32 $0x8F2B, s0  }
0xbd: {  	[sflag:s0] =	ssyncadd.remote.s32 $0x1  }
0xbe: {  	_ =	sfence.sel $0xFFFF  }
0xbf: {  	[dreg:$0x0] =	wrdreg $0xFFFFFFFF;
	(pc) =	sbr.abs _section_cstart, $3  }
0xc0: {  	[dreg:$0x1] =	wrdreg $0xFFFFFFFF  }
0xc1: {  	_ =	task.clear_ibuf [dreg:s6], $0x2FFFF;
	_ =	strace $0x9FFFFFFF  }
0xc2: {  	(tm) =	ssettm $0x7FFFFFFF  }
0xc3: {  	_ =	shalt  }
tec
execute0_lowered:
.L_overlay_start_1:
0x0: {  	(tag) =	ssettag $0x1  }
0x1: {  	s0 =	rddreg [dreg:$0x0]  }
0x2: {  	s2 =	rddreg [dreg:$0x1]  }
0x3: {  	s5 =	stileid.u32;
	s1 =	srdreg.scid  }
0x4: {  	s3 =	simm.s32 $0x0;
	s15 =	simm.s32 $0xC400;
	s16 =	simm.s32 $0xCF80  }
0x5: {  	s17 =	simm.s32 $0xC480;
	s10 =	sand.u32 $0x1, s1;
	[smem:$0x7FF] =	sst s3  }
0x6: {  	s6 =	sadd.s32 $0x67C4600, s0;
	_ =	strace $0x8000004A;
	[dreg:$0xe] =	wrdreg s10  }
0x7: {  	s18 =	simm.s32 $0xD380;
	s20 =	simm.s32 $0xC500;
	[dreg:$0xf] =	wrdreg s6  }
0x8: {  	s28 =	simm.s32 $0xC880;
	s29 =	simm.s32 $0xF380;
	[dreg:$0x4] =	wrdreg s15  }
0x9: {  	s30 =	simm.s32 $0xC900;
	s13 =	sadd.s32 $0x1E00, s0;
	[dreg:$0x5] =	wrdreg s16  }
0xa: {  	s31 =	simm.s32 $0xF780;
	s4 =	smul.u32 $0xC380, s5;
	[dreg:$0x10] =	wrdreg s13  }
0xb: {  	s12 =	smul.u32 $0x61A, s5;
	s24 =	sshll.u32 s5, $0x6;
	[dreg:$0x6] =	wrdreg s17  }
0xc: {  	s1 =	smul.u32 $0xC3800, s10;
	s8 =	sshll.u32 s10, $0x4;
	[dreg:$0x7] =	wrdreg s18  }
0xd: {  	s9 =	ssub.s32 $0x2, s10;
	s10 =	smul.u32 $0x61A0, s10;
	[dreg:$0x8] =	wrdreg s20  }
0xe: {  	s16 =	simm.s32 $0xC380;
	s17 =	simm.s32 $0xCB80;
	s18 =	simm.s32 $0x80  }
0xf: {  	s20 =	simm.s32 $0xE380;
	s15 =	simm.s32 $0x0;
	s7 =	sshrl.u32 s4, $0x3  }
0x10: {  	s8 =	sor.u32 s8, s5;
	s11 =	sshrl.u32 s9, $0x1;
	s5 =	sor.u32 $0x1C01, s24  }
0x11: {  	s24 =	simm.s32 $0xDB80;
	s1 =	sadd.s32 s4, s1;
	s7 =	sadd.s32 s7, s0  }
0x12: {  	s8 =	smin.u32 s8, $0x10;
	s22 =	ssub.s32 s9, s11;
	s4 =	sadd.s32 s4, s2  }
0x13: {  	s14 =	sadd.s32 s12, s10;
	[dreg:$0xb] =	wrdreg s24;
	s24 =	simm.s32 $0xEB80  }
0x14: {  	[dreg:$0x12] =	wrdreg s5;
	s1 =	sshrl.u32 s1, $0x3;
	s23 =	sor.u32 s10, s8  }
0x15: {  	s25 =	sadd.s32 $0x61C600, s7;
	s7 =	simm.s32 $0xCA00;
	s10 =	simm.s32 $0xCA80  }
0x16: {  	s0 =	sadd.s32 s1, s0;
	s9 =	sadd.s32 s12, s23;
	[dreg:$0x11] =	wrdreg s25  }
0x17: {  	s1 =	smax.u32 s22, $0x1;
	s22 =	simm.s32 $0xD780;
	s23 =	simm.s32 $0xC580  }
0x18: {  	s25 =	simm.s32 $0xC600;
	s12 =	simm.s32 $0x10380;
	[dreg:$0x14] =	wrdreg s1  }
0x19: {  	s26 =	sshll.u32 s9, $0x4;
	s0 =	sadd.s32 $0x634E00, s0;
	[dreg:$0x9] =	wrdreg s22  }
0x1a: {  	s1 =	sadd.s32 s8, s14;
	s19 =	sadd.s32 $0x610, s9;
	[dreg:$0xa] =	wrdreg s23  }
0x1b: {  	s14 =	simm.s32 $0x1;
	[dreg:$0xc] =	wrdreg s25;
	s22 =	simm.s32 $0xE780  }
0x1c: {  	s23 =	simm.s32 $0xC780;
	s25 =	simm.s32 $0xC800;
	s9 =	simm.s32 $0xFF80  }
0x1d: {  	s8 =	simm.s32 $0x10780;
	[dreg:$0x13] =	wrdreg s0;
	s11 =	sadd.s32 s26, s6  }
0x1e: {  	s1 =	sshll.u32 s1, $0x7;
	s21 =	sshll.u32 s19, $0x7;
	[dreg:$0x3] =	wrdreg s11  }
0x1f: {  	s26 =	simm.s32 $0xDF80;
	s0 =	simm.s32 $0xC980;
	[dreg:$0x16] =	wrdreg s21  }
0x20: {  	s1 =	sadd.s32 s1, s13;
	s11 =	sshrl.u32 s4, $0x3;
	[dreg:$0xd] =	wrdreg s26  }
0x21: {  	s21 =	simm.s32 $0xC700;
	s26 =	simm.s32 $0xEF80;
	[dreg:$0x15] =	wrdreg s1  }
0x22: {  	s13 =	simm.s32 $0xCB00;
	s1 =	sshll.u32 s19, $0x4;
	[dreg:$0x18] =	wrdreg s11  }
0x23: {  	s19 =	simm.s32 $0xC680;
	[dreg:$0x17] =	wrdreg s1;
	s1 =	simm.s32 $0xFB80  }
.LBB2_1:
0x24: {  	[dreg:$0x19] =	wrdreg s15  }
0x25: {  	s4 =	rddreg [dreg:$0x11]  }
0x26: {  	[spmem:s11], [sflag:s5] =	dma.local [hbm:s4], $0x1870  }
0x27: {  	_ =	swait.ge [sflag:s14], $0x1870  }
0x28: {  	[sflag:s14] =	ssyncset.done $0x0  }
0x29: {  	[sflag:s14] =	ssyncadd.s32 $0xFFFFE790  }
0x2a: {  	[bflag:$0x0] =	sbarrier.arrive $0xFFFF  }
0x2b: {  	s11 =	rddreg [dreg:$0x3]  }
0x2c: {  	s4 =	sadd.s32 $0x0, s11  }
0x2d: {  	[tilespmem:s16], [sflag:$0x1] =	stream.linear.gather [hbm4b:s4+s3], $0x800, $0x38;
	[tilespmem:$0x10B80] =	vst v63  }
0x2e: {  	_ =	swait.ge [sflag:s14], $0x800  }
0x2f: {  	[sflag:s14] =	ssyncset.done $0x0  }
0x30: {  	s5 =	rddreg [dreg:$0x15];
	[sflag:s14] =	ssyncadd.s32 $0xFFFFF800  }
0x31: {  	[tilespmem:s17], [sflag:$0x1] =	stream.linear.gather [hbm4b:s5+s3], $0x4000, $0x38;
	[tilespmem:$0x10B80] =	vst v63  }
0x32: {  	_ =	swait.ge [sflag:s14], $0x4000  }
0x33: {  	[sflag:s14] =	ssyncset.done $0x0  }
0x34: {  	[sflag:s14] =	ssyncadd.s32 $0xFFFFC000  }
0x35: {  	[spmem:s2] =	stream.indirect.scatter.add.f32 [tilespmem:s17], [sflag:$0x1], $0x8, s16, s18, $0xb8;
	[tilespmem:$0x10B80] =	vst v63  }
0x36: {  	_ =	swait.ge [sflag:s14], $0x400  }
0x37: {  	s15 =	rddreg [dreg:$0x4];
	[sflag:s14] =	ssyncset.done $0x0  }
0x38: {  	s6 =	rddreg [dreg:$0x5];
	[sflag:s14] =	ssyncadd.s32 $0xFFFFFC00  }
0x39: {  	[spmem:s2] =	stream.indirect.scatter.add.f32 [tilespmem:s6], [sflag:$0x1], $0x8, s15, s18, $0xb8;
	[tilespmem:$0x10B80] =	vst v63  }
0x3a: {  	_ =	swait.ge [sflag:s14], $0x400  }
0x3b: {  	s15 =	rddreg [dreg:$0x6];
	[sflag:s14] =	ssyncset.done $0x0  }
0x3c: {  	s6 =	rddreg [dreg:$0x7];
	[sflag:s14] =	ssyncadd.s32 $0xFFFFFC00  }
0x3d: {  	[spmem:s2] =	stream.indirect.scatter.add.f32 [tilespmem:s6], [sflag:$0x1], $0x8, s15, s18, $0xb8;
	[tilespmem:$0x10B80] =	vst v63  }
0x3e: {  	_ =	swait.ge [sflag:s14], $0x400  }
0x3f: {  	s15 =	rddreg [dreg:$0x8];
	[sflag:s14] =	ssyncset.done $0x0  }
0x40: {  	s6 =	rddreg [dreg:$0x9];
	[sflag:s14] =	ssyncadd.s32 $0xFFFFFC00  }
0x41: {  	[spmem:s2] =	stream.indirect.scatter.add.f32 [tilespmem:s6], [sflag:$0x1], $0x8, s15, s18, $0xb8;
	[tilespmem:$0x10B80] =	vst v63  }
0x42: {  	_ =	swait.ge [sflag:s14], $0x400  }
0x43: {  	s15 =	rddreg [dreg:$0xa];
	[sflag:s14] =	ssyncset.done $0x0  }
0x44: {  	s6 =	rddreg [dreg:$0xb];
	[sflag:s14] =	ssyncadd.s32 $0xFFFFFC00  }
0x45: {  	[spmem:s2] =	stream.indirect.scatter.add.f32 [tilespmem:s6], [sflag:$0x1], $0x8, s15, s18, $0xb8;
	[tilespmem:$0x10B80] =	vst v63  }
0x46: {  	_ =	swait.ge [sflag:s14], $0x400  }
0x47: {  	s11 =	rddreg [dreg:$0xc];
	[sflag:s14] =	ssyncset.done $0x0  }
0x48: {  	s15 =	rddreg [dreg:$0xd];
	[sflag:s14] =	ssyncadd.s32 $0xFFFFFC00  }
0x49: {  	[spmem:s2] =	stream.indirect.scatter.add.f32 [tilespmem:s15], [sflag:$0x1], $0x8, s11, s18, $0xb8;
	[tilespmem:$0x10B80] =	vst v63  }
0x4a: {  	_ =	swait.ge [sflag:s14], $0x400  }
0x4b: {  	[sflag:s14] =	ssyncset.done $0x0  }
0x4c: {  	[sflag:s14] =	ssyncadd.s32 $0xFFFFFC00  }
0x4d: {  	[spmem:s2] =	stream.indirect.scatter.add.f32 [tilespmem:s20], [sflag:$0x1], $0x8, s19, s18, $0xb8;
	[tilespmem:$0x10B80] =	vst v63  }
0x4e: {  	_ =	swait.ge [sflag:s14], $0x400  }
0x4f: {  	[sflag:s14] =	ssyncset.done $0x0  }
0x50: {  	[sflag:s14] =	ssyncadd.s32 $0xFFFFFC00  }
0x51: {  	[spmem:s2] =	stream.indirect.scatter.add.f32 [tilespmem:s22], [sflag:$0x1], $0x8, s21, s18, $0xb8;
	[tilespmem:$0x10B80] =	vst v63  }
0x52: {  	_ =	swait.ge [sflag:s14], $0x400  }
0x53: {  	[sflag:s14] =	ssyncset.done $0x0  }
0x54: {  	[sflag:s14] =	ssyncadd.s32 $0xFFFFFC00  }
0x55: {  	[spmem:s2] =	stream.indirect.scatter.add.f32 [tilespmem:s24], [sflag:$0x1], $0x8, s23, s18, $0xb8;
	[tilespmem:$0x10B80] =	vst v63  }
0x56: {  	_ =	swait.ge [sflag:s14], $0x400  }
0x57: {  	[sflag:s14] =	ssyncset.done $0x0  }
0x58: {  	[sflag:s14] =	ssyncadd.s32 $0xFFFFFC00  }
0x59: {  	[spmem:s2] =	stream.indirect.scatter.add.f32 [tilespmem:s26], [sflag:$0x1], $0x8, s25, s18, $0xb8;
	[tilespmem:$0x10B80] =	vst v63  }
0x5a: {  	_ =	swait.ge [sflag:s14], $0x400  }
0x5b: {  	[sflag:s14] =	ssyncset.done $0x0  }
0x5c: {  	[sflag:s14] =	ssyncadd.s32 $0xFFFFFC00  }
0x5d: {  	[spmem:s2] =	stream.indirect.scatter.add.f32 [tilespmem:s29], [sflag:$0x1], $0x8, s28, s18, $0xb8;
	[tilespmem:$0x10B80] =	vst v63  }
0x5e: {  	_ =	swait.ge [sflag:s14], $0x400  }
0x5f: {  	[sflag:s14] =	ssyncset.done $0x0  }
0x60: {  	[sflag:s14] =	ssyncadd.s32 $0xFFFFFC00  }
0x61: {  	[spmem:s2] =	stream.indirect.scatter.add.f32 [tilespmem:s31], [sflag:$0x1], $0x8, s30, s18, $0xb8;
	[tilespmem:$0x10B80] =	vst v63  }
0x62: {  	_ =	swait.ge [sflag:s14], $0x400  }
0x63: {  	[sflag:s14] =	ssyncset.done $0x0  }
0x64: {  	[sflag:s14] =	ssyncadd.s32 $0xFFFFFC00  }
0x65: {  	[spmem:s2] =	stream.indirect.scatter.add.f32 [tilespmem:s1], [sflag:$0x1], $0x8, s0, s18, $0xb8;
	[tilespmem:$0x10B80] =	vst v63  }
0x66: {  	_ =	swait.ge [sflag:s14], $0x400  }
0x67: {  	[sflag:s14] =	ssyncset.done $0x0  }
0x68: {  	[sflag:s14] =	ssyncadd.s32 $0xFFFFFC00  }
0x69: {  	[spmem:s2] =	stream.indirect.scatter.add.f32 [tilespmem:s9], [sflag:$0x1], $0x8, s7, s18, $0xb8;
	[tilespmem:$0x10B80] =	vst v63  }
0x6a: {  	_ =	swait.ge [sflag:s14], $0x400  }
0x6b: {  	[sflag:s14] =	ssyncset.done $0x0  }
0x6c: {  	s4 =	smov.u32 s5;
	[sflag:s14] =	ssyncadd.s32 $0xFFFFFC00  }
0x6d: {  	[spmem:s2] =	stream.indirect.scatter.add.f32 [tilespmem:s12], [sflag:$0x1], $0x8, s10, s18, $0xb8;
	[tilespmem:$0x10B80] =	vst v63  }
0x6e: {  	s11 =	simm.s32 $0x100;
	_ =	swait.ge [sflag:s14], $0x400;
	s14 =	simm.s32 $0x1  }
.LBB2_2:
0x6f: {  	[sflag:s14] =	ssyncset.done $0x0  }
0x70: {  	[sflag:s14] =	ssyncadd.s32 $0xFFFFFC00  }
0x71: {  	[spmem:s2] =	stream.indirect.scatter.add.f32 [tilespmem:s8], [sflag:$0x1], $0x8, s13, s18, $0xb8;
	[tilespmem:$0x10B80] =	vst v63  }
0x72: {  	_ =	swait.ge [sflag:s14], $0x400  }
0x73: {  	s5 =	smov.u32 s11;
	s6 =	rddreg [dreg:$0x3];
	[sflag:s14] =	ssyncset.done $0x0  }
0x74: {  	[sflag:s14] =	ssyncadd.s32 $0xFFFFFC00;
	s5 =	sadd.s32 s5, s6;
	s14 =	simm.s32 $0x1  }
0x75: {  	[tilespmem:s16], [sflag:$0x1] =	stream.linear.gather [hbm4b:s5+s3], $0x800, $0x38;
	[tilespmem:$0x10B80] =	vst v63  }
0x76: {  	_ =	swait.ge [sflag:s14], $0x800  }
0x77: {  	[sflag:s14] =	ssyncset.done $0x0  }
0x78: {  	s4 =	sadd.s32 $0x800, s4;
	[sflag:s14] =	ssyncadd.s32 $0xFFFFF800  }
0x79: {  	[tilespmem:s17], [sflag:$0x1] =	stream.linear.gather [hbm4b:s4+s3], $0x4000, $0x38;
	[tilespmem:$0x10B80] =	vst v63  }
0x7a: {  	_ =	swait.ge [sflag:s14], $0x4000  }
0x7b: {  	[sflag:s14] =	ssyncset.done $0x0  }
0x7c: {  	[sflag:s14] =	ssyncadd.s32 $0xFFFFC000  }
0x7d: {  	[spmem:s2] =	stream.indirect.scatter.add.f32 [tilespmem:s17], [sflag:$0x1], $0x8, s16, s18, $0xb8;
	[tilespmem:$0x10B80] =	vst v63  }
0x7e: {  	_ =	swait.ge [sflag:s14], $0x400  }
0x7f: {  	s6 =	rddreg [dreg:$0x4];
	[sflag:s14] =	ssyncset.done $0x0  }
0x80: {  	s15 =	rddreg [dreg:$0x5];
	[sflag:s14] =	ssyncadd.s32 $0xFFFFFC00  }
0x81: {  	[spmem:s2] =	stream.indirect.scatter.add.f32 [tilespmem:s15], [sflag:$0x1], $0x8, s6, s18, $0xb8;
	[tilespmem:$0x10B80] =	vst v63  }
0x82: {  	_ =	swait.ge [sflag:s14], $0x400  }
0x83: {  	[sflag:s14] =	ssyncset.done $0x0;
	s6 =	rddreg [dreg:$0x6]  }
0x84: {  	s15 =	rddreg [dreg:$0x7];
	[sflag:s14] =	ssyncadd.s32 $0xFFFFFC00  }
0x85: {  	[spmem:s2] =	stream.indirect.scatter.add.f32 [tilespmem:s15], [sflag:$0x1], $0x8, s6, s18, $0xb8;
	[tilespmem:$0x10B80] =	vst v63  }
0x86: {  	_ =	swait.ge [sflag:s14], $0x400  }
0x87: {  	[sflag:s14] =	ssyncset.done $0x0;
	s6 =	rddreg [dreg:$0x8]  }
0x88: {  	s15 =	rddreg [dreg:$0x9];
	[sflag:s14] =	ssyncadd.s32 $0xFFFFFC00  }
0x89: {  	[spmem:s2] =	stream.indirect.scatter.add.f32 [tilespmem:s15], [sflag:$0x1], $0x8, s6, s18, $0xb8;
	[tilespmem:$0x10B80] =	vst v63  }
0x8a: {  	_ =	swait.ge [sflag:s14], $0x400  }
0x8b: {  	[sflag:s14] =	ssyncset.done $0x0;
	s6 =	rddreg [dreg:$0xa]  }
0x8c: {  	s15 =	rddreg [dreg:$0xb];
	[sflag:s14] =	ssyncadd.s32 $0xFFFFFC00  }
0x8d: {  	[spmem:s2] =	stream.indirect.scatter.add.f32 [tilespmem:s15], [sflag:$0x1], $0x8, s6, s18, $0xb8;
	[tilespmem:$0x10B80] =	vst v63  }
0x8e: {  	_ =	swait.ge [sflag:s14], $0x400  }
0x8f: {  	[sflag:s14] =	ssyncset.done $0x0;
	s6 =	rddreg [dreg:$0xc]  }
0x90: {  	s15 =	rddreg [dreg:$0xd];
	[sflag:s14] =	ssyncadd.s32 $0xFFFFFC00  }
0x91: {  	[spmem:s2] =	stream.indirect.scatter.add.f32 [tilespmem:s15], [sflag:$0x1], $0x8, s6, s18, $0xb8;
	[tilespmem:$0x10B80] =	vst v63  }
0x92: {  	_ =	swait.ge [sflag:s14], $0x400  }
0x93: {  	[sflag:s14] =	ssyncset.done $0x0  }
0x94: {  	[sflag:s14] =	ssyncadd.s32 $0xFFFFFC00  }
0x95: {  	[spmem:s2] =	stream.indirect.scatter.add.f32 [tilespmem:s20], [sflag:$0x1], $0x8, s19, s18, $0xb8;
	[tilespmem:$0x10B80] =	vst v63  }
0x96: {  	_ =	swait.ge [sflag:s14], $0x400  }
0x97: {  	[sflag:s14] =	ssyncset.done $0x0  }
0x98: {  	[sflag:s14] =	ssyncadd.s32 $0xFFFFFC00  }
0x99: {  	[spmem:s2] =	stream.indirect.scatter.add.f32 [tilespmem:s22], [sflag:$0x1], $0x8, s21, s18, $0xb8;
	[tilespmem:$0x10B80] =	vst v63  }
0x9a: {  	_ =	swait.ge [sflag:s14], $0x400  }
0x9b: {  	[sflag:s14] =	ssyncset.done $0x0  }
0x9c: {  	[sflag:s14] =	ssyncadd.s32 $0xFFFFFC00  }
0x9d: {  	[spmem:s2] =	stream.indirect.scatter.add.f32 [tilespmem:s24], [sflag:$0x1], $0x8, s23, s18, $0xb8;
	[tilespmem:$0x10B80] =	vst v63  }
0x9e: {  	_ =	swait.ge [sflag:s14], $0x400  }
0x9f: {  	[sflag:s14] =	ssyncset.done $0x0  }
0xa0: {  	[sflag:s14] =	ssyncadd.s32 $0xFFFFFC00  }
0xa1: {  	[spmem:s2] =	stream.indirect.scatter.add.f32 [tilespmem:s26], [sflag:$0x1], $0x8, s25, s18, $0xb8;
	[tilespmem:$0x10B80] =	vst v63  }
0xa2: {  	_ =	swait.ge [sflag:s14], $0x400  }
0xa3: {  	[sflag:s14] =	ssyncset.done $0x0  }
0xa4: {  	[sflag:s14] =	ssyncadd.s32 $0xFFFFFC00  }
0xa5: {  	[spmem:s2] =	stream.indirect.scatter.add.f32 [tilespmem:s29], [sflag:$0x1], $0x8, s28, s18, $0xb8;
	[tilespmem:$0x10B80] =	vst v63  }
0xa6: {  	_ =	swait.ge [sflag:s14], $0x400  }
0xa7: {  	[sflag:s14] =	ssyncset.done $0x0  }
0xa8: {  	[sflag:s14] =	ssyncadd.s32 $0xFFFFFC00  }
0xa9: {  	[spmem:s2] =	stream.indirect.scatter.add.f32 [tilespmem:s31], [sflag:$0x1], $0x8, s30, s18, $0xb8;
	[tilespmem:$0x10B80] =	vst v63  }
0xaa: {  	_ =	swait.ge [sflag:s14], $0x400  }
0xab: {  	[sflag:s14] =	ssyncset.done $0x0  }
0xac: {  	[sflag:s14] =	ssyncadd.s32 $0xFFFFFC00  }
0xad: {  	[spmem:s2] =	stream.indirect.scatter.add.f32 [tilespmem:s1], [sflag:$0x1], $0x8, s0, s18, $0xb8;
	[tilespmem:$0x10B80] =	vst v63  }
0xae: {  	_ =	swait.ge [sflag:s14], $0x400  }
0xaf: {  	[sflag:s14] =	ssyncset.done $0x0  }
0xb0: {  	p0 =	sne.s32 s11, $0x6000;
	[sflag:s14] =	ssyncadd.s32 $0xFFFFFC00  }
0xb1: {  	[spmem:s2] =	stream.indirect.scatter.add.f32 [tilespmem:s9], [sflag:$0x1], $0x8, s7, s18, $0xb8;
	[tilespmem:$0x10B80] =	vst v63  }
.Ltmp0:
0xb2: {  	_ =	swait.ge [sflag:s14], $0x400;
	(pc) =	sbr.rel @p0 .LBB2_2-.Ltmp0, $4  }
0xb3: {  	[sflag:s14] =	ssyncset.done $0x0  }
0xb4: {  	[sflag:s14] =	ssyncadd.s32 $0xFFFFFC00  }
0xb5: {  	[spmem:s2] =	stream.indirect.scatter.add.f32 [tilespmem:s12], [sflag:$0x1], $0x8, s10, s18, $0xb8;
	[tilespmem:$0x10B80] =	vst v63  }
0xb6: {  	s11 =	sadd.s32 $0x100, s11;
	_ =	swait.ge [sflag:s14], $0x400  }
0xb7: {  	[sflag:s14] =	ssyncset.done $0x0  }
0xb8: {  	[sflag:s14] =	ssyncadd.s32 $0xFFFFFC00  }
0xb9: {  	[spmem:s2] =	stream.indirect.scatter.add.f32 [tilespmem:s8], [sflag:$0x1], $0x8, s13, s18, $0xb8;
	[tilespmem:$0x10B80] =	vst v63  }
0xba: {  	_ =	swait.ge [sflag:s14], $0x400  }
0xbb: {  	[sflag:s14] =	ssyncset.done $0x0;
	s4 =	rddreg [dreg:$0x17]  }
0xbc: {  	s6 =	simm.s32 $0x1;
	s11 =	rddreg [dreg:$0x16];
	[sflag:s14] =	ssyncadd.s32 $0xFFFFFC00  }
.LBB2_4:
0xbd: {  	s5 =	sand.u32 $0x1FFFFFF0, s4;
	s15 =	rddreg [dreg:$0xf]  }
0xbe: {  	s5 =	sadd.s32 s15, s5  }
0xbf: {  	[tilespmem:s16], [sflag:$0x1] =	stream.linear.gather [hbm4b:s5+s3], $0x80, $0x38;
	[tilespmem:$0x10B80] =	vst v63  }
0xc0: {  	_ =	swait.ge [sflag:s6], $0x80  }
0xc1: {  	s5 =	sand.u32 $0x1FFFFF80, s11;
	[sflag:s6] =	ssyncset.done $0x0;
	s15 =	rddreg [dreg:$0x10]  }
0xc2: {  	[sflag:s6] =	ssyncadd.s32 $0xFFFFFF80;
	s5 =	sadd.s32 s15, s5  }
0xc3: {  	[tilespmem:s17], [sflag:$0x1] =	stream.linear.gather [hbm4b:s5+s3], $0x400, $0x38;
	[tilespmem:$0x10B80] =	vst v63  }
0xc4: {  	_ =	swait.ge [sflag:s6], $0x400  }
0xc5: {  	[sflag:s6] =	ssyncset.done $0x0  }
0xc6: {  	[sflag:s6] =	ssyncadd.s32 $0xFFFFFC00  }
0xc7: {  	[spmem:s2] =	stream.indirect.scatter.add.f32 [tilespmem:s17], [sflag:$0x1], $0x8, s16, s18, $0xb8;
	[tilespmem:$0x10B80] =	vst v63  }
0xc8: {  	_ =	swait.ge [sflag:s6], $0x400  }
0xc9: {  	s15 =	rddreg [dreg:$0xe]  }
0xca: {  	s5 =	sxor.u32 s14, s15  }
0xcb: {  	p0 =	sne.s32 s5, $0xB  }
.Ltmp1:
0xcc: {  	_ = 	snop;
	(pc) =	sbr.rel @p0 .LBB2_4-.Ltmp1, $3  }
0xcd: {  	_ =	sdelay $0x1  }
0xce: {  	s4 =	sadd.s32 $0x10, s4;
	[sflag:s6] =	ssyncset.done $0x0  }
0xcf: {  	s11 =	sadd.s32 $0x80, s11;
	[sflag:s6] =	ssyncadd.s32 $0xFFFFFC00;
	s14 =	sadd.s32 $0x1, s14  }
0xd0: {  	[bflag:$0x0] =	sbarrier.arrive $0xFFFF  }
0xd1: {  	s5 =	rddreg [dreg:$0x12]  }
0xd2: {  	s4 =	rddreg [dreg:$0x13]  }
0xd3: {  	s11 =	rddreg [dreg:$0x18]  }
0xd4: {  	[hbm:s4], [sflag:s5] =	dma.local [spmem:s11], $0x1870  }
0xd5: {  	_ =	swait.ge [sflag:s6], $0x1870  }
0xd6: {  	s15 =	rddreg [dreg:$0x19]  }
0xd7: {  	s14 =	rddreg [dreg:$0x14];
	s15 =	sadd.s32 $0x1, s15  }
0xd8: {  	p0 =	sne.s32 s15, s14  }
.Ltmp2:
0xd9: {  	_ = 	snop;
	(pc) =	sbr.rel @p0 .LBB2_1-.Ltmp2, $3  }
0xda: {  	_ =	sdelay $0x1  }
0xdb: {  	[sflag:s6] =	ssyncset.done $0x0  }
0xdc: {  	[sflag:s6] =	ssyncadd.s32 $0xFFFFE790;
	s14 =	simm.s32 $0x1  }
0xdd: {  	_ =	sfence.sel $0x180000  }
0xde: {  	[bflag:$0x0] =	sbarrier.arrive $0xFFFF  }
0xdf: {  	_ =	strace $0x9000004A  }
0xe0: {  	s0 =	stileid.u32;
	[bflag:$0x2] =	sbarrier.arrive $0xFFFF  }
0xe1: {  	p0 =	sne.s32 s0, $0x0;
	s0 =	rddreg [dreg:$0x2]  }
0xe2: {  	s0 =	sadd.s32 @!p0 $0x100000, s0  }
0xe3: {  	[sflag:s0] =	ssyncadd.tile.s32 @!p0 $0x1;
	_ =	shalt  }
.Lfunc_end2:
_tile_overlayer_lowered:
.L_overlay_start_2:
0xe4: {  	(tag) =	ssettag $0x2  }
0xe5: {  	s0 =	rddreg [dreg:$0x0];
	s2 =	stileid.u32  }
0xe6: {  	s1 =	rddreg [dreg:$0x1];
	p0 =	sne.s32 s2, $0x0  }
0xe7: {  	s3 =	rddreg [dreg:$0x2];
	[bflag:$0x3] =	sbarrier.arrive $0xFFFF;
	s2 =	simm.s32 @!p0 $0x1C01  }
0xe8: {  	[timem:s3], [sflag:s2] =	dma.local @!p0 [hbm:s0], s1  }
0xe9: {  	s0 =	simm.s32 @!p0 $0x1  }
0xea: {  	_ =	swait.ge @!p0 [sflag:s0], s1  }
0xeb: {  	s1 =	ssub.s32 @!p0 $0x0, s1;
	[sflag:s0] =	ssyncset.done @!p0 $0x0  }
0xec: {  	[sflag:s0] =	ssyncadd.s32 @!p0 s1  }
0xed: {  	[bflag:$0x3] =	sbarrier.arrive $0xFFFF  }
0xee: {  	_ =	shalt  }

// kernel: sparse-core-data-format-call.cloned.1.call-start
scs
called_computation_lowered:
.L_overlay_start_0:
0x0: {  	s1 =	sld [smem:$0x3FD9]  }
0x1: {  	s2 =	sld [smem:$0x3FFE];
	_ =	sdelay $0x1  }
0x2: {  	s3 =	srdreg.scid  }
0x3: {  	s0 =	sand.u32 $0x1, s3  }
0x4: {  	s17 =	sshll.u32 s0, $0xA;
	s1 =	sadd.s32 s2, s1  }
0x5: {  	s1 =	sadd.s32 s1, s17  }
0x6: {  	[smem:$0x3FB8] =	sst s1  }
0x7: {  	_ = 	snop  }
0x8: {  	(tm) =	ssettm $0x1  }
0x9: {  	s18 =	sld [smem:$0x3FFB];
	_ =	sdelay $0x3  }
0xa: {  	_ =	strace s18  }
0xb: {  	s1 =	sld [smem:$0x3FFC];
	_ =	sdelay $0x3  }
0xc: {  	_ =	strace s1  }
0xd: {  	s1 =	sld [smem:$0x3FFD];
	_ =	sdelay $0x3  }
0xe: {  	_ =	strace s1  }
0xf: {  	_ =	strace $0x8FFFFFFF  }
0x10: {  	s19 =	sld [smem:$0x3FDB];
	_ =	sdelay $0x1  }
0x11: {  	s20 =	simm.s32 $_scs_section_size  }
0x12: {  	s4 =	simm.s32 $_size__tile_overlayer_lowered;
	s5 =	simm.s32 $_tile_overlayer_lowered  }
0x13: {  	s23 =	simm.s32 $0x1BFF;
	s22 =	sshll.u32 s5, $0x1;
	s1 =	sadd.s32 s20, s19  }
0x14: {  	s6 =	simm.s32 $0x0;
	s21 =	sshll.u32 s4, $0x1;
	s4 =	sadd.s32 s22, s1  }
0x15: {  	[timem:s6], [sflag:s23] =	dma.local [hbm:s4], s21  }
0x16: {  	_ =	swait.ge [sflag:s23], s21  }
0x17: {  	s2 =	ssub.s32 $0x0, s21;
	[sflag:s23] =	ssyncset.done $0x0  }
0x18: {  	[sflag:s23] =	ssyncadd.s32 s2;
	_ =	sdelay $0x1  }
0x19: {  	s24 =	simm.s32 $0x1B8B  }
0x1a: {  	_ =	swait.ge [sflag:s24], $0x1  }
0x1b: {  	[sflag:s24] =	ssyncset.done $0x0  }
0x1c: {  	s26 =	simm.s32 $0x1B8E;
	s25 =	sld [smem:$0x3FFE];
	[sflag:s24] =	ssyncadd.s32 $0xFFFFFFFF  }
0x1d: {  	s27 =	simm.s32 $execute0_lowered;
	[smem:$0x3FD2] =	sst s26  }
0x1e: {  	s4 =	sshll.u32 s27, $0x1;
	_ =	strace $0x80000046;
	[dreg:$0x1] =	wrdreg $0xFFFFFFFF  }
0x1f: {  	s28 =	simm.s32 $_size_execute0_lowered;
	s1 =	sadd.s32 s1, s4;
	[dreg:$0x0] =	wrdreg $0x0  }
0x20: {  	s4 =	sshll.u32 s28, $0x1;
	[dreg:$0x2] =	wrdreg s1  }
0x21: {  	[dreg:$0x3] =	wrdreg s4  }
0x22: {  	[dreg:$0x4] =	wrdreg $0xC0  }
0x23: {  	_ =	task [dreg:s6], $0x5FFFF  }
0x24: {  	[dreg:$0x1] =	wrdreg $0xFFFFFFFF  }
0x25: {  	[dreg:$0x0] =	wrdreg $0x60  }
0x26: {  	[dreg:$0x2] =	wrdreg s25  }
0x27: {  	[dreg:$0x3] =	wrdreg $0x9  }
0x28: {  	_ =	task.clear_ibuf [dreg:s6], $0x4FFFF;
	_ =	strace $0x90000046  }
0x29: {  	s29 =	simm.s32 $0x9;
	_ =	strace $0x80000048  }
0x2a: {  	_ =	swait.ge [sflag:s29], $0x1  }
0x2b: {  	[sflag:s29] =	ssyncadd.s32 $0xFFFFFFFF  }
0x2c: {  	_ =	strace $0x90000048  }
0x2d: {  	_ =	sfence  }
0x2e: {  	s30 =	sld [smem:$0x0];
	_ =	sdelay $0x2  }
0x2f: {  	s31 =	sshll.u32 s3, $0xD;
	s3 =	sshrl.u32 s3, $0x2  }
0x30: {  	s2 =	sand.u32 $0x4000, s31;
	s1 =	sadd.s32 s3, s30  }
0x31: {  	s0 =	sor.u32 s2, s0;
	s1 =	sshll.u32 s1, $0x11  }
0x32: {  	s0 =	sor.u32 s1, s0  }
0x33: {  	s0 =	sadd.s32 $0x8F2B, s0  }
0x34: {  	[sflag:s0] =	ssyncadd.remote.s32 $0x1  }
0x35: {  	_ =	sfence.sel $0xFFFF  }
0x36: {  	[dreg:$0x0] =	wrdreg $0xFFFFFFFF;
	(pc) =	sbr.abs _section_cstart, $3  }
0x37: {  	[dreg:$0x1] =	wrdreg $0xFFFFFFFF  }
0x38: {  	_ =	task.clear_ibuf [dreg:s6], $0x2FFFF;
	_ =	strace $0x9FFFFFFF  }
0x39: {  	(tm) =	ssettm $0x7FFFFFFF  }
tec
execute0_lowered:
.L_overlay_start_1:
0x0: {  	(tag) =	ssettag $0x1  }
0x1: {  	s0 =	srdreg.scid  }
0x2: {  	s6 =	rddreg [dreg:$0x0];
	s7 =	simm.s32 $0x1;
	s1 =	sshll.u32 s0, $0x4  }
0x3: {  	s8 =	simm.s32 $0x2;
	s0 =	stileid.u32;
	s1 =	sand.u32 $0x10, s1  }
0x4: {  	s13 =	simm.s32 $0x0;
	s12 =	simm.s32 $0x0;
	s1 =	sor.u32 s0, s1  }
0x5: {  	s10 =	simm.s32 $0x0;
	s3 =	sadd.s32 $0x1E00, s6;
	s2 =	sshll.u32 s1, $0xB  }
0x6: {  	s11 =	simm.s32 $0x0;
	s6 =	sadd.s32 $0x61C600, s6;
	s5 =	ssub.s32 $0x61A800, s2  }
.Ltmp0:
0x7: {  	s1 =	rddreg [dreg:$0x1];
	s4 =	sand.u32 $0xF800, s5;
	(pc) =	sbr.rel .LBB1_1-.Ltmp0, $4  }
0x8: {  	_ =	strace $0x80000047;
	s9 =	smov.u32 s2;
	p0 =	sne.s32 s4, $0x0  }
0x9: {  	s5 =	sshrl.u32 s5, $0x10;
	s4 =	simm.s32 $0x1;
	s7 =	simm.s32 @!p0 $0x0  }
0xa: {  	[sflag:s4] =	ssyncpa.u1 $0x0;
	p0 =	por $0x0, $0x0;
	s5 =	sadd.s32 s7, s5  }
0xb: {  	[sflag:s8] =	ssyncpa.u1 $0x0;
	s8 =	simm.s32 $0x80;
	s7 =	sadd.s32 $0x1, s5  }
.LBB1_7:
0xc: {  	s14 =	sadd.s32 $0x10000, s9  }
0xd: {  	s12 =	sadd.s32 $0x8, s10;
	s16 =	smov.u32 s10;
	p2 =	sgt.s32 s14, $0x61A7FF  }
0xe: {  	s16 =	smov.u32 @p2 s12  }
0xf: {  	s14 =	smov.u32 @p2 s2;
	p2 =	sgt.s32 s16, $0x7  }
0x10: {  	s16 =	simm.s32 @p2 $0x0;
	p2 =	sne.s32 s11, s7  }
.Ltmp1:
0x11: {  	p1 =	slt.u32 s11, $0x2;
	(pc) =	sbr.rel @!p2 .LBB1_8-.Ltmp1, $4  }
0x12: {  	s15 =	simm.s32 @!p1 $0x2  }
0x13: {  	s13 =	smov.u32 s9;
	p0 =	por !p0, !p0;
	_ =	swait.ge @!p1 [sflag:s15], $0x4000  }
0x14: {  	s12 =	smov.u32 s10;
	[sflag:s15] =	ssyncset.done @!p1 $0x0;
	s9 =	smov.u32 s14  }
0x15: {  	s11 =	sadd.s32 $0x1, s11;
	[sflag:s15] =	ssyncadd.s32 @!p1 $0xFFFFC000;
	s10 =	smov.u32 s16  }
.LBB1_1:
0x16: {  	p1 =	sge.u32 s11, s5  }
0x17: {  	s14 =	sshrl.u32 @!p1 s10, $0x3  }
0x18: {  	s15 =	sshll.u32 @!p1 s9, $0x3;
	s14 =	smul.u32 @!p1 $0x30D4000, s14  }
0x19: {  	s15 =	sand.u32 @!p1 $0xFFFFFC00, s15  }
0x1a: {  	s14 =	sadd.s32 @!p1 s14, s15  }
0x1b: {  	s15 =	sshrl.u32 @!p1 s14, $0xB  }
0x1c: {  	s16 =	sshll.u32 @!p1 s10, $0x7;
	s15 =	smulhi.u32 @!p1 $0x14F8B6, s15  }
0x1d: {  	s17 =	sand.u32 @!p1 $0x7F, s9;
	s16 =	sand.u32 @!p1 $0x380, s16  }
0x1e: {  	s16 =	sor.u32 @!p1 s17, s16;
	s17 =	smul.u32 @!p1 $0x61A800, s15  }
0x1f: {  	s14 =	sor.u32 @!p1 s14, s16  }
0x20: {  	s15 =	sand.u32 @!p1 $0x7, s15;
	s14 =	ssub.s32 @!p1 s14, s17  }
0x21: {  	s16 =	sxor.u32 @!p1 $0xFFFFFFFF, s11;
	s15 =	smul.u32 @!p1 $0xC3500, s15;
	s17 =	sshrl.u32 @!p1 s14, $0x3  }
0x22: {  	s31 =	sadd.s32 $0xFFFFFFFF, s11;
	s16 =	sshll.u32 @!p1 s16, $0xE;
	s17 =	sadd.s32 @!p1 s3, s17  }
0x23: {  	s16 =	sand.u32 @!p1 $0x4000, s16;
	s14 =	sand.u32 @!p1 $0x7, s14;
	s15 =	sadd.s32 @!p1 s15, s17  }
0x24: {  	[tilespmem:s16], [sflag:$0x1] =	stream.linear.gather @!p1 [hbm4b:s15+s14], $0x4000, $0x38;
	[tilespmem:$0x11000] =	vst v63  }
0x25: {  	p1 =	sge.u32 s31, s5  }
.Ltmp2:
0x26: {  	_ = 	snop;
	(pc) =	sbr.rel @p1 .LBB1_7-.Ltmp2, $1  }
0x27: {  	_ =	sdelay $0x3  }
0x28: {  	s14 =	simm.s32 $0x1;
	s16 =	sand.u32 $0x1, s11  }
0x29: {  	_ =	swait.ge [sflag:s4], $0x4000;
	s14 =	simm.s32 @!p0 $0x0;
	s17 =	smul.u32 $0x12000, s16  }
0x2a: {  	[sflag:s4] =	ssyncset.done $0x0;
	s15 =	smul.u32 $0x12000, s14  }
0x2b: {  	s14 =	sshll.u32 s14, $0xE;
	[sflag:s4] =	ssyncadd.s32 $0xFFFFC000  }
0x2c: {  	s16 =	sor.u32 $0x800, s14;
	s31 =	sshrl.u32 s17, $0x2;
	s15 =	sshrl.u32 s15, $0x2  }
0x2d: {  	s17 =	simm.s32 $0x0;
	s14 =	sor.u32 $0x8000, s31;
	s15 =	sadd.s32 $0x9170, s15  }
.LBB1_3:
0x2e: {  	v0 =	vld [tilespmem:s16+$0x470]  }
0x2f: {  	v1 =	vld [tilespmem:s16+$0xFFFFF810]  }
0x30: {  	v2 =	vld [tilespmem:s16+$0xFFFFF820]  }
0x31: {  	v3 =	vld [tilespmem:s16+$0xFFFFF830]  }
0x32: {  	v4 =	vld [tilespmem:s16+$0xFFFFF840]  }
0x33: {  	v5 =	vld [tilespmem:s16+$0xFFFFF850];
	[tilespmem:s15+$0x0 ss:$0x9] =	vst.msk $0xffff, v0  }
0x34: {  	[tilespmem:s15+$0xFFFFEF20 ss:$0x9] =	vst.msk $0xffff, v1;
	v0 =	vld [tilespmem:s16+$0xFFFFF860]  }
0x35: {  	[tilespmem:s15+$0xFFFFEFB0 ss:$0x9] =	vst.msk $0xffff, v2;
	v1 =	vld [tilespmem:s16+$0xFFFFF870]  }
0x36: {  	[tilespmem:s15+$0xFFFFF040 ss:$0x9] =	vst.msk $0xffff, v3;
	v2 =	vld [tilespmem:s16+$0xFFFFFC00]  }
0x37: {  	[tilespmem:s15+$0xFFFFF0D0 ss:$0x9] =	vst.msk $0xffff, v4;
	v3 =	vld [tilespmem:s16+$0xFFFFFC10]  }
0x38: {  	[tilespmem:s15+$0xFFFFF160 ss:$0x9] =	vst.msk $0xffff, v5;
	v4 =	vld [tilespmem:s16+$0xFFFFFC20]  }
0x39: {  	v5 =	vld [tilespmem:s16+$0x420];
	[tilespmem:s15+$0xFFFFF1F0 ss:$0x9] =	vst.msk $0xffff, v0  }
0x3a: {  	v0 =	vld [tilespmem:s16+$0xFFFFFC30];
	[tilespmem:s15+$0xFFFFF280 ss:$0x9] =	vst.msk $0xffff, v1  }
0x3b: {  	v1 =	vld [tilespmem:s16+$0xFFFFFC40];
	[tilespmem:s15+$0xFFFFF310 ss:$0x9] =	vst.msk $0xffff, v2  }
0x3c: {  	[tilespmem:s15+$0xFFFFF3A0 ss:$0x9] =	vst.msk $0xffff, v3;
	v3 =	vld [tilespmem:s16+$0xFFFFFC60]  }
0x3d: {  	[tilespmem:s15+$0xFFFFF430 ss:$0x9] =	vst.msk $0xffff, v4;
	v4 =	vld [tilespmem:s16+$0xFFFFFC70]  }
0x3e: {  	v2 =	vld [tilespmem:s16+$0xFFFFFC50];
	[tilespmem:s15+$0xFFFFFD30 ss:$0x9] =	vst.msk $0xffff, v5  }
0x3f: {  	[tilespmem:s15+$0xFFFFF4C0 ss:$0x9] =	vst.msk $0xffff, v0;
	v0 =	vld [tilespmem:s16+$0x0]  }
0x40: {  	[tilespmem:s15+$0xFFFFF550 ss:$0x9] =	vst.msk $0xffff, v1;
	v1 =	vld [tilespmem:s16+$0x10]  }
0x41: {  	[tilespmem:s15+$0xFFFFF670 ss:$0x9] =	vst.msk $0xffff, v3;
	v3 =	vld [tilespmem:s16+$0x30]  }
0x42: {  	[tilespmem:s15+$0xFFFFF700 ss:$0x9] =	vst.msk $0xffff, v4;
	v4 =	vld [tilespmem:s16+$0x40]  }
0x43: {  	[tilespmem:s15+$0xFFFFF5E0 ss:$0x9] =	vst.msk $0xffff, v2;
	v2 =	vld [tilespmem:s16+$0x20]  }
0x44: {  	[tilespmem:s15+$0xFFFFF790 ss:$0x9] =	vst.msk $0xffff, v0;
	v0 =	vld [tilespmem:s16+$0x50]  }
0x45: {  	[tilespmem:s15+$0xFFFFF820 ss:$0x9] =	vst.msk $0xffff, v1;
	v1 =	vld [tilespmem:s16+$0x60]  }
0x46: {  	[tilespmem:s15+$0xFFFFF940 ss:$0x9] =	vst.msk $0xffff, v3;
	v3 =	vld [tilespmem:s16+$0x400]  }
0x47: {  	[tilespmem:s15+$0xFFFFF9D0 ss:$0x9] =	vst.msk $0xffff, v4;
	v4 =	vld [tilespmem:s16+$0x410]  }
0x48: {  	[tilespmem:s15+$0xFFFFF8B0 ss:$0x9] =	vst.msk $0xffff, v2;
	v2 =	vld [tilespmem:s16+$0x70]  }
0x49: {  	[tilespmem:s15+$0xFFFFFA60 ss:$0x9] =	vst.msk $0xffff, v0;
	v0 =	vld [tilespmem:s16+$0x430]  }
0x4a: {  	[tilespmem:s15+$0xFFFFFAF0 ss:$0x9] =	vst.msk $0xffff, v1;
	v1 =	vld [tilespmem:s16+$0x440]  }
0x4b: {  	[tilespmem:s15+$0xFFFFFC10 ss:$0x9] =	vst.msk $0xffff, v3;
	v3 =	vld [tilespmem:s16+$0x450]  }
0x4c: {  	[tilespmem:s15+$0xFFFFFCA0 ss:$0x9] =	vst.msk $0xffff, v4;
	v4 =	vld [tilespmem:s16+$0x460]  }
0x4d: {  	s19 =	simm.s32 $0x0;
	s20 =	sadd.s32 $0x1000, s16;
	s18 =	smov.u32 s15;
	[tilespmem:s15+$0xFFFFFB80 ss:$0x9] =	vst.msk $0xffff, v2;
	v2 =	vld [tilespmem:s16+$0xFFFFF800]  }
.LBB1_4:
0x4e: {  	v5 =	vld [tilespmem:s20+$0x470];
	s19 =	sadd.s32 $0x200, s19;
	[tilespmem:s18+$0xFFFFFDC0 ss:$0x9] =	vst.msk $0xffff, v0  }
0x4f: {  	v0 =	vld [tilespmem:s20+$0xFFFFF810];
	p1 =	slt.u32 s19, $0x600;
	[tilespmem:s18+$0xFFFFFE50 ss:$0x9] =	vst.msk $0xffff, v1  }
0x50: {  	v1 =	vld [tilespmem:s20+$0xFFFFF820];
	[tilespmem:s18+$0xFFFFFEE0 ss:$0x9] =	vst.msk $0xffff, v3  }
0x51: {  	v3 =	vld [tilespmem:s20+$0xFFFFF830];
	[tilespmem:s18+$0xFFFFFF70 ss:$0x9] =	vst.msk $0xffff, v4  }
0x52: {  	v4 =	vld [tilespmem:s20+$0xFFFFF840];
	[tilespmem:s18+$0xFFFFEE90 ss:$0x9] =	vst.msk $0xffff, v2;
	s18 =	sadd.s32 $0x1200, s18  }
0x53: {  	v2 =	vld [tilespmem:s20+$0xFFFFF850];
	[tilespmem:s18+$0x0 ss:$0x9] =	vst.msk $0xffff, v5  }
0x54: {  	[tilespmem:s18+$0xFFFFEF20 ss:$0x9] =	vst.msk $0xffff, v0;
	v0 =	vld [tilespmem:s20+$0xFFFFF860]  }
0x55: {  	[tilespmem:s18+$0xFFFFEFB0 ss:$0x9] =	vst.msk $0xffff, v1;
	v1 =	vld [tilespmem:s20+$0xFFFFF870]  }
0x56: {  	[tilespmem:s18+$0xFFFFF040 ss:$0x9] =	vst.msk $0xffff, v3;
	v3 =	vld [tilespmem:s20+$0xFFFFFC00]  }
0x57: {  	[tilespmem:s18+$0xFFFFF0D0 ss:$0x9] =	vst.msk $0xffff, v4;
	v4 =	vld [tilespmem:s20+$0xFFFFFC10]  }
0x58: {  	[tilespmem:s18+$0xFFFFF160 ss:$0x9] =	vst.msk $0xffff, v2;
	v2 =	vld [tilespmem:s20+$0xFFFFFC20]  }
0x59: {  	[tilespmem:s18+$0xFFFFF1F0 ss:$0x9] =	vst.msk $0xffff, v0;
	v0 =	vld [tilespmem:s20+$0xFFFFFC30]  }
0x5a: {  	[tilespmem:s18+$0xFFFFF280 ss:$0x9] =	vst.msk $0xffff, v1;
	v1 =	vld [tilespmem:s20+$0xFFFFFC40]  }
0x5b: {  	[tilespmem:s18+$0xFFFFF310 ss:$0x9] =	vst.msk $0xffff, v3;
	v3 =	vld [tilespmem:s20+$0xFFFFFC50]  }
0x5c: {  	[tilespmem:s18+$0xFFFFF3A0 ss:$0x9] =	vst.msk $0xffff, v4;
	v4 =	vld [tilespmem:s20+$0xFFFFFC60]  }
0x5d: {  	[tilespmem:s18+$0xFFFFF430 ss:$0x9] =	vst.msk $0xffff, v2;
	v2 =	vld [tilespmem:s20+$0xFFFFFC70]  }
0x5e: {  	[tilespmem:s18+$0xFFFFF4C0 ss:$0x9] =	vst.msk $0xffff, v0;
	v0 =	vld [tilespmem:s20+$0x0]  }
0x5f: {  	[tilespmem:s18+$0xFFFFF550 ss:$0x9] =	vst.msk $0xffff, v1;
	v1 =	vld [tilespmem:s20+$0x10]  }
0x60: {  	[tilespmem:s18+$0xFFFFF5E0 ss:$0x9] =	vst.msk $0xffff, v3;
	v3 =	vld [tilespmem:s20+$0x20]  }
0x61: {  	[tilespmem:s18+$0xFFFFF670 ss:$0x9] =	vst.msk $0xffff, v4;
	v4 =	vld [tilespmem:s20+$0x30]  }
0x62: {  	[tilespmem:s18+$0xFFFFF700 ss:$0x9] =	vst.msk $0xffff, v2;
	v2 =	vld [tilespmem:s20+$0x40]  }
0x63: {  	[tilespmem:s18+$0xFFFFF790 ss:$0x9] =	vst.msk $0xffff, v0;
	v0 =	vld [tilespmem:s20+$0x50]  }
0x64: {  	[tilespmem:s18+$0xFFFFF820 ss:$0x9] =	vst.msk $0xffff, v1;
	v1 =	vld [tilespmem:s20+$0x60]  }
0x65: {  	[tilespmem:s18+$0xFFFFF8B0 ss:$0x9] =	vst.msk $0xffff, v3;
	v3 =	vld [tilespmem:s20+$0x70]  }
0x66: {  	[tilespmem:s18+$0xFFFFF940 ss:$0x9] =	vst.msk $0xffff, v4;
	v4 =	vld [tilespmem:s20+$0x400]  }
0x67: {  	[tilespmem:s18+$0xFFFFF9D0 ss:$0x9] =	vst.msk $0xffff, v2;
	v2 =	vld [tilespmem:s20+$0x410]  }
0x68: {  	[tilespmem:s18+$0xFFFFFA60 ss:$0x9] =	vst.msk $0xffff, v0;
	v5 =	vld [tilespmem:s20+$0x420]  }
.Ltmp3:
0x69: {  	[tilespmem:s18+$0xFFFFFAF0 ss:$0x9] =	vst.msk $0xffff, v1;
	v0 =	vld [tilespmem:s20+$0x430];
	(pc) =	sbr.rel @p1 .LBB1_4-.Ltmp3, $4  }
0x6a: {  	[tilespmem:s18+$0xFFFFFB80 ss:$0x9] =	vst.msk $0xffff, v3;
	v1 =	vld [tilespmem:s20+$0x440]  }
0x6b: {  	[tilespmem:s18+$0xFFFFFC10 ss:$0x9] =	vst.msk $0xffff, v4;
	v3 =	vld [tilespmem:s20+$0x450]  }
0x6c: {  	[tilespmem:s18+$0xFFFFFCA0 ss:$0x9] =	vst.msk $0xffff, v2;
	v4 =	vld [tilespmem:s20+$0x460]  }
0x6d: {  	v2 =	vld [tilespmem:s20+$0xFFFFF800];
	[tilespmem:s18+$0xFFFFFD30 ss:$0x9] =	vst.msk $0xffff, v5;
	s20 =	sadd.s32 $0x1000, s20  }
0x6e: {  	s17 =	sadd.s32 $0x1, s17  }
0x6f: {  	p1 =	sne.s32 s17, $0x8  }
.Ltmp4:
0x70: {  	[tilespmem:s18+$0xFFFFFDC0 ss:$0x9] =	vst.msk $0xffff, v0;
	(pc) =	sbr.rel @p1 .LBB1_3-.Ltmp4, $4  }
0x71: {  	[tilespmem:s18+$0xFFFFFE50 ss:$0x9] =	vst.msk $0xffff, v1  }
0x72: {  	[tilespmem:s18+$0xFFFFFEE0 ss:$0x9] =	vst.msk $0xffff, v3  }
0x73: {  	[tilespmem:s18+$0xFFFFFF70 ss:$0x9] =	vst.msk $0xffff, v4  }
0x74: {  	s15 =	sadd.s32 $0x1, s15;
	s16 =	sadd.s32 $0x80, s16;
	[tilespmem:s18+$0xFFFFEE90 ss:$0x9] =	vst.msk $0xffff, v2  }
0x75: {  	s13 =	sshll.u32 s13, $0x7;
	s15 =	sshll.u32 s12, $0x3  }
0x76: {  	s16 =	sand.u32 $0xFFFFFC00, s13;
	s15 =	sand.u32 $0xFFFFFC00, s15  }
0x77: {  	s13 =	sand.u32 $0x380, s13;
	s15 =	sadd.s32 s15, s16  }
0x78: {  	s13 =	sor.u32 s13, s15  }
0x79: {  	s13 =	sshrl.u32 s13, $0x7  }
0x7a: {  	s28 =	smulhi.u32 $0x14F8B59, s13;
	_ =	sdelay $0x1  }
0x7b: {  	s15 =	sshrl.u32 s28, $0xF  }
0x7c: {  	s15 =	smul.u32 $0x61A800, s15  }
.Ltmp5:
0x7d: {  	s29 =	sshrl.u32 s12, $0x3;
	(pc) =	sbr.rel .LBB1_7-.Ltmp5, $4  }
0x7e: {  	s31 =	sand.u32 $0x7, s12;
	s30 =	sand.u32 $0xF, s29;
	s13 =	ssub.s32 s13, s15  }
0x7f: {  	s12 =	sshll.u32 s31, $0x12;
	s15 =	sadd.s32 s6, s30;
	s13 =	sshll.u32 s13, $0x4  }
0x80: {  	s12 =	sor.u32 $0x8, s12;
	s13 =	sadd.s32 s13, s15  }
0x81: {  	[hbm4b:s13+s12] =	stream.strided.scatter [tilespmem:s14], [sflag:$0x2], $0x4000, s8, s12, $0x0;
	[tilespmem:$0x11000] =	vst v63  }
.LBB1_8:
0x82: {  	_ =	sfence.sel $0x180000  }
0x83: {  	s2 =	simm.s32 $0x1;
	[bflag:$0x0] =	sbarrier.arrive $0xFFFF  }
0x84: {  	s31 =	simm.s32 $0x2;
	[sflag:s2] =	ssyncpa.u1 $0x1  }
0x85: {  	[sflag:s31] =	ssyncpa.u1 $0x1  }
0x86: {  	p0 =	sne.s32 s0, $0x0;
	_ =	strace $0x90000047  }
0x87: {  	s0 =	sadd.s32 @!p0 $0x100000, s1;
	[bflag:$0x2] =	sbarrier.arrive $0xFFFF  }
0x88: {  	[sflag:s0] =	ssyncadd.tile.s32 @!p0 $0x1;
	_ =	shalt  }
.Lfunc_end1:
_tile_overlayer_lowered:
.L_overlay_start_2:
0x89: {  	(tag) =	ssettag $0x2  }
0x8a: {  	s0 =	rddreg [dreg:$0x0];
	s2 =	stileid.u32  }
0x8b: {  	s1 =	rddreg [dreg:$0x1];
	p0 =	sne.s32 s2, $0x0  }
0x8c: {  	s3 =	rddreg [dreg:$0x2];
	[bflag:$0x3] =	sbarrier.arrive $0xFFFF;
	s2 =	simm.s32 @!p0 $0x1C01  }
0x8d: {  	[timem:s3], [sflag:s2] =	dma.local @!p0 [hbm:s0], s1  }
0x8e: {  	s0 =	simm.s32 @!p0 $0x1  }
0x8f: {  	_ =	swait.ge @!p0 [sflag:s0], s1  }
0x90: {  	s1 =	ssub.s32 @!p0 $0x0, s1;
	[sflag:s0] =	ssyncset.done @!p0 $0x0  }
0x91: {  	[sflag:s0] =	ssyncadd.s32 @!p0 s1  }
0x92: {  	[bflag:$0x3] =	sbarrier.arrive $0xFFFF  }
0x93: {  	_ =	shalt  }

</sc_bundles>
